<compile_context>
chip_gen: v7x
topology: tpu7x:2x2x1
jax: 0.10.2.dev20260603
libtpu: 0.0.44.dev20260713+nightly
codegen_flags: <defaults>
</compile_context>

<pallas_src>
import functools

import jax
import jax.numpy as jnp
from jax import lax
from jax.experimental import pallas as pl
from jax.experimental.pallas import tpu as pltpu
from jax.experimental.pallas import tpu_sc as plsc

B, H, L, D, S = 8, 16, 2048, 128, 1024
GLOBAL_TOKENS = 4

_NC = 2
_NS = 16
_NW = _NC * _NS
_LANES = 16

_ROWS = B * H * S
_ROWS_PER_W = _ROWS // _NW
_CH = 256
_NBUF = 3


class _Ring:

    def __init__(self, buf_of, in_sems, out_sems, nbuf):
        self.buf_of, self.in_sems, self.out_sems = buf_of, in_sems, out_sems
        self.nbuf = nbuf
        self.i = 0
        self.in_h = [None] * nbuf
        self.out_h = [None] * nbuf
        self.pend = []

    def step(self, src, dst):
        b = self.i % self.nbuf
        if self.out_h[b] is not None:
            self.out_h[b].wait()
        self.in_h[b] = pltpu.async_copy(src, self.buf_of(b),
                                        self.in_sems.at[b])
        self.pend.append((b, dst))
        self.i += 1
        if len(self.pend) >= self.nbuf - 1:
            self._retire()

    def _retire(self):
        b, dst = self.pend.pop(0)
        self.in_h[b].wait()
        self.out_h[b] = pltpu.async_copy(self.buf_of(b), dst,
                                         self.out_sems.at[b])

    def drain(self):
        while self.pend:
            self._retire()
        for h in self.out_h:
            if h is not None:
                h.wait()


def _sc_body(ip_hbm, vv_hbm, v_out, pos_out, pos_row, spmem,
             s_in_sems, s_out_sems):
    sid = lax.axis_index("s")
    wid = sid * _NC + lax.axis_index("c")
    row_base = wid * _ROWS_PER_W

    chunks = []
    for j in range(_ROWS_PER_W // _CH):
        off = row_base + j * _CH
        chunks.append((vv_hbm.at[pl.ds(off, _CH)], v_out.at[pl.ds(off, _CH)]))

    ring = _Ring(lambda b: spmem.at[sid, b], s_in_sems, s_out_sems, _NBUF)

    @pl.when(wid == 0)
    def _():
        pltpu.sync_copy(ip_hbm, pos_row.at[pl.ds(0, S)])
        neg = jnp.full((_LANES,), -1, jnp.int32)
        for i in range(S // _LANES, L // _LANES):
            pos_row[pl.ds(i * _LANES, _LANES)] = neg
        lane = lax.iota(jnp.int32, _LANES)
        head = pos_row[pl.ds(0, _LANES)]
        pos_row[pl.ds(0, _LANES)] = jnp.where(
            lane < min(GLOBAL_TOKENS, S), jnp.int32(L), head)
        for b in range(B):
            pltpu.sync_copy(pos_row, pos_out.at[b])

    for src, dst in chunks:
        ring.step(src, dst)
    ring.drain()


_TC_BLOCK = 4096


def _tc_body(src_k, dst_k):
    dst_k[...] = src_k[...]


@jax.jit
def _impl(input_pos, k_val_flat, v_val_flat):
    sc_run = functools.partial(
        pl.kernel,
        mesh=plsc.VectorSubcoreMesh(core_axis_name="c", subcore_axis_name="s"),
        out_type=(
            jax.ShapeDtypeStruct((_ROWS, D), jnp.float32),
            jax.ShapeDtypeStruct((B, L), jnp.int32),
        ),
        scratch_types=[
            pltpu.VMEM((L,), jnp.int32),
            pltpu.VMEM_SHARED((_NS, _NBUF, _CH, D), jnp.float32),
            pltpu.SemaphoreType.DMA((_NBUF,)),
            pltpu.SemaphoreType.DMA((_NBUF,)),
        ],
    )(_sc_body)
    v_out, pos_out = sc_run(input_pos, v_val_flat)

    bs = pl.BlockSpec((_TC_BLOCK, D), lambda i: (i, 0))
    k_out = pl.pallas_call(
        _tc_body,
        grid=(_ROWS // _TC_BLOCK,),
        in_specs=[bs],
        out_specs=bs,
        out_shape=jax.ShapeDtypeStruct((_ROWS, D), jnp.float32),
    )(k_val_flat)

    return k_out, v_out, pos_out


def kernel(input_pos, k_val, v_val, k_cache, v_cache, pos):
    k_flat, v_flat, pos_out = _impl(
        input_pos,
        k_val.reshape(_ROWS, D),
        v_val.reshape(_ROWS, D),
    )
    return (
        k_flat.reshape(B, H, S, D),
        v_flat.reshape(B, H, S, D),
        pos_out.reshape(B, 1, L),
    )

# --- scband reference (transcript-rebuilt; emitter-appended) ---
"""Pipeline reference for scband-kvcache-77429670412928 (READ-ONLY COPY).

The authoritative reference and input builder live on the scoring server;
editing this copy changes nothing except your own understanding.
"""

import jax, jax.numpy as jnp
import numpy as np

B, H, L, D, S = 8, 16, 2048, 128, 1024
GLOBAL_TOKENS = 4


def setup_inputs(seed: int = 0) -> dict:
    key = jax.random.key(seed)
    k1, k2 = jax.random.split(key)
    return {
        "input_pos": jnp.arange(S, dtype=jnp.int32),
        "k_val": jax.random.normal(k1, (B, H, S, D), dtype=jnp.float32),
        "v_val": jax.random.normal(k2, (B, H, S, D), dtype=jnp.float32),
        "k_cache": jnp.zeros((B, H, L, D), dtype=jnp.float32),
        "v_cache": jnp.zeros((B, H, L, D), dtype=jnp.float32),
        "pos": jnp.full((B, 1, L), -1, dtype=jnp.int32),
    }


def reference(input_pos, k_val, v_val, k_cache, v_cache, pos):
    # Faithful translation of KVCache.update -> fill_contiguous (prefill path,
    # cache_cts starts at 0, num_tokens <= max_cache_length so no prompt compression).
    num_tokens = input_pos.shape[-1]

    # pos[:, :, start:end] = input_pos  (scatter-overwrite by position index)
    pos = pos.at[:, :, input_pos].set(
        jnp.broadcast_to(input_pos[None, None, :].astype(jnp.int32), (B, 1, num_tokens))
    )
    # k_cache[:, :, start:end, :] = k_val ; v_cache likewise (scatter-overwrite)
    k_cache = k_cache.at[:, :, input_pos, :].set(k_val)
    v_cache = v_cache.at[:, :, input_pos, :].set(v_val)

    # mark_global_tokens: pos[:, :, :num_to_mark] = max_cache_length
    num_to_mark = min(GLOBAL_TOKENS, num_tokens)
    pos = pos.at[:, :, :num_to_mark].set(jnp.int32(L))

    # cache_cts += num_tokens; since cache_cts (=num_tokens) < max_cache_length,
    # return truncated views k_cache[:, :, :cache_cts, :]
    k = k_cache[:, :, :num_tokens, :]
    v = v_cache[:, :, :num_tokens, :]
    return (k, v, pos)

if __name__ == "__main__":
    import jax
    _d = setup_inputs()
    print(jax.jit(kernel)(*tuple(_d.values())))

</pallas_src>

<mosaic_0001>
#map = affine_map<(d0, d1) -> (0)>
#map1 = affine_map<(d0, d1) -> (0, 0)>
module attributes {stable_mosaic.version = 14 : i64} {
  func.func @_sc_body(%arg0: i32, %arg1: i32, %arg2: memref<1024xi32, #tpu.memory_space<hbm>>, %arg3: memref<131072x128xf32, #tpu.memory_space<hbm>>, %arg4: memref<131072x128xf32, #tpu.memory_space<hbm>>, %arg5: memref<8x2048xi32, #tpu.memory_space<hbm>>, %arg6: memref<2048xi32, #tpu.memory_space<vmem>>, %arg7: memref<16x3x256x128xf32, #tpu.memory_space<vmem_shared>>, %arg8: memref<3x!tpu.dma_semaphore, #tpu.memory_space<semaphore_mem>>, %arg9: memref<3x!tpu.dma_semaphore, #tpu.memory_space<semaphore_mem>>) attributes {dimension_semantics = [#tpu.dimension_semantics<core_parallel>, #tpu.dimension_semantics<subcore_parallel>], iteration_bounds = array<i64: 2, 16>, scalar_prefetch = 0 : i64, scratch_operands = 4 : i64, tpu.core_type = #tpu.core_type<sc_vector_subcore>, window_params = [{transform_indices = #map}, {transform_indices = #map1}, {transform_indices = #map1}, {transform_indices = #map1}]} {
    %mul3A = arith.constant 2 : i32
    %mul3A_0 = arith.muli %arg1, %mul3A : i32
    %add3A = arith.addi %mul3A_0, %arg0 : i32
    %mul3A_1 = arith.constant 4096 : i32
    %mul3A_2 = arith.muli %add3A, %mul3A_1 : i32
    %add3A_3 = arith.constant 0 : i32
    %add3A_4 = arith.addi %mul3A_2, %add3A_3 : i32
    %add3A_5 = arith.constant 256 : i32
    %add3A_6 = arith.addi %mul3A_2, %add3A_5 : i32
    %add3A_7 = arith.constant 512 : i32
    %add3A_8 = arith.addi %mul3A_2, %add3A_7 : i32
    %add3A_9 = arith.constant 768 : i32
    %add3A_10 = arith.addi %mul3A_2, %add3A_9 : i32
    %add3A_11 = arith.constant 1024 : i32
    %add3A_12 = arith.addi %mul3A_2, %add3A_11 : i32
    %add3A_13 = arith.constant 1280 : i32
    %add3A_14 = arith.addi %mul3A_2, %add3A_13 : i32
    %add3A_15 = arith.constant 1536 : i32
    %add3A_16 = arith.addi %mul3A_2, %add3A_15 : i32
    %add3A_17 = arith.constant 1792 : i32
    %add3A_18 = arith.addi %mul3A_2, %add3A_17 : i32
    %add3A_19 = arith.constant 2048 : i32
    %add3A_20 = arith.addi %mul3A_2, %add3A_19 : i32
    %add3A_21 = arith.constant 2304 : i32
    %add3A_22 = arith.addi %mul3A_2, %add3A_21 : i32
    %add3A_23 = arith.constant 2560 : i32
    %add3A_24 = arith.addi %mul3A_2, %add3A_23 : i32
    %add3A_25 = arith.constant 2816 : i32
    %add3A_26 = arith.addi %mul3A_2, %add3A_25 : i32
    %add3A_27 = arith.constant 3072 : i32
    %add3A_28 = arith.addi %mul3A_2, %add3A_27 : i32
    %add3A_29 = arith.constant 3328 : i32
    %add3A_30 = arith.addi %mul3A_2, %add3A_29 : i32
    %add3A_31 = arith.constant 3584 : i32
    %add3A_32 = arith.addi %mul3A_2, %add3A_31 : i32
    %add3A_33 = arith.constant 3840 : i32
    %add3A_34 = arith.addi %mul3A_2, %add3A_33 : i32
    %eq3A = arith.constant 0 : i32
    %eq3A_35 = arith.cmpi eq, %add3A, %eq3A : i32
    %convert_element_type3A = arith.extui %eq3A_35 : i1 to i32
    %cond3A = arith.constant 0 : i32
    %cond3A_36 = arith.cmpi ne, %convert_element_type3A, %cond3A : i32
    scf.if %cond3A_36 {
      "tpu.region"() ({
        %run_scoped3A_947 = tpu.sem_alloc : memref<!tpu.dma_semaphore, #tpu.memory_space<semaphore_mem>>
        %dma_start3A_948 = arith.constant 0 : i32
        %dma_start3A_949 = tpu.memref_slice %arg6[%dma_start3A_948] : memref<2048xi32, #tpu.memory_space<vmem>> -> memref<1024xi32, #tpu.memory_space<vmem>>
        %dma_start3A_950 = arith.constant 0 : i32
        %dma_start3A_951 = tpu.memref_slice %arg6[%dma_start3A_950] : memref<2048xi32, #tpu.memory_space<vmem>> -> memref<1024xi32, #tpu.memory_space<vmem>>
        tpu.enqueue_dma source(%arg2 : memref<1024xi32, #tpu.memory_space<hbm>>) target(%dma_start3A_951 : memref<1024xi32, #tpu.memory_space<vmem>>) target_semaphore(%run_scoped3A_947 : memref<!tpu.dma_semaphore, #tpu.memory_space<semaphore_mem>>)
        %dma_wait3A_952 = arith.constant 0 : i32
        %dma_wait3A_953 = tpu.memref_slice %arg6[%dma_wait3A_952] : memref<2048xi32, #tpu.memory_space<vmem>> -> memref<1024xi32, #tpu.memory_space<vmem>>
        %dma_wait3A_954 = arith.constant 0 : i32
        %dma_wait3A_955 = tpu.memref_slice %arg6[%dma_wait3A_954] : memref<2048xi32, #tpu.memory_space<vmem>> -> memref<1024xi32, #tpu.memory_space<vmem>>
        tpu.wait_dma2 semaphore(%run_scoped3A_947 : memref<!tpu.dma_semaphore, #tpu.memory_space<semaphore_mem>>) src(%arg2 : memref<1024xi32, #tpu.memory_space<hbm>>) dst(%dma_wait3A_955 : memref<1024xi32, #tpu.memory_space<vmem>>)
        tpu.yield
      }) : () -> ()
      %broadcast_in_dim3A = arith.constant -1 : i32
      %broadcast_in_dim3A_675 = vector.broadcast %broadcast_in_dim3A : i32 to vector<16xi32>
      %swap3A = arith.constant 1024 : index
      %swap3A_676 = tpu.vector_load %arg6[%swap3A] {strides = array<i32>} : memref<2048xi32, #tpu.memory_space<vmem>>, vector<16xi32>,
      %swap3A_677 = vector.shape_cast %swap3A_676 : vector<16xi32> to vector<16xi32>
      %swap3A_678 = vector.shape_cast %broadcast_in_dim3A_675 : vector<16xi32> to vector<16xi32>
      tpu.vector_store %arg6[%swap3A], %swap3A_678 {strides = array<i32>} : memref<2048xi32, #tpu.memory_space<vmem>>, vector<16xi32>,
      %swap3A_679 = arith.constant 1040 : index
      %swap3A_680 = tpu.vector_load %arg6[%swap3A_679] {strides = array<i32>} : memref<2048xi32, #tpu.memory_space<vmem>>, vector<16xi32>,
      %swap3A_681 = vector.shape_cast %swap3A_680 : vector<16xi32> to vector<16xi32>
      %swap3A_682 = vector.shape_cast %broadcast_in_dim3A_675 : vector<16xi32> to vector<16xi32>
      tpu.vector_store %arg6[%swap3A_679], %swap3A_682 {strides = array<i32>} : memref<2048xi32, #tpu.memory_space<vmem>>, vector<16xi32>,
      %swap3A_683 = arith.constant 1056 : index
      %swap3A_684 = tpu.vector_load %arg6[%swap3A_683] {strides = array<i32>} : memref<2048xi32, #tpu.memory_space<vmem>>, vector<16xi32>,
      %swap3A_685 = vector.shape_cast %swap3A_684 : vector<16xi32> to vector<16xi32>
      %swap3A_686 = vector.shape_cast %broadcast_in_dim3A_675 : vector<16xi32> to vector<16xi32>
      tpu.vector_store %arg6[%swap3A_683], %swap3A_686 {strides = array<i32>} : memref<2048xi32, #tpu.memory_space<vmem>>, vector<16xi32>,
      %swap3A_687 = arith.constant 1072 : index
      %swap3A_688 = tpu.vector_load %arg6[%swap3A_687] {strides = array<i32>} : memref<2048xi32, #tpu.memory_space<vmem>>, vector<16xi32>,
      %swap3A_689 = vector.shape_cast %swap3A_688 : vector<16xi32> to vector<16xi32>
      %swap3A_690 = vector.shape_cast %broadcast_in_dim3A_675 : vector<16xi32> to vector<16xi32>
      tpu.vector_store %arg6[%swap3A_687], %swap3A_690 {strides = array<i32>} : memref<2048xi32, #tpu.memory_space<vmem>>, vector<16xi32>,
      %swap3A_691 = arith.constant 1088 : index
      %swap3A_692 = tpu.vector_load %arg6[%swap3A_691] {strides = array<i32>} : memref<2048xi32, #tpu.memory_space<vmem>>, vector<16xi32>,
      %swap3A_693 = vector.shape_cast %swap3A_692 : vector<16xi32> to vector<16xi32>
      %swap3A_694 = vector.shape_cast %broadcast_in_dim3A_675 : vector<16xi32> to vector<16xi32>
      tpu.vector_store %arg6[%swap3A_691], %swap3A_694 {strides = array<i32>} : memref<2048xi32, #tpu.memory_space<vmem>>, vector<16xi32>,
      %swap3A_695 = arith.constant 1104 : index
      %swap3A_696 = tpu.vector_load %arg6[%swap3A_695] {strides = array<i32>} : memref<2048xi32, #tpu.memory_space<vmem>>, vector<16xi32>,
      %swap3A_697 = vector.shape_cast %swap3A_696 : vector<16xi32> to vector<16xi32>
      %swap3A_698 = vector.shape_cast %broadcast_in_dim3A_675 : vector<16xi32> to vector<16xi32>
      tpu.vector_store %arg6[%swap3A_695], %swap3A_698 {strides = array<i32>} : memref<2048xi32, #tpu.memory_space<vmem>>, vector<16xi32>,
      %swap3A_699 = arith.constant 1120 : index
      %swap3A_700 = tpu.vector_load %arg6[%swap3A_699] {strides = array<i32>} : memref<2048xi32, #tpu.memory_space<vmem>>, vector<16xi32>,
      %swap3A_701 = vector.shape_cast %swap3A_700 : vector<16xi32> to vector<16xi32>
      %swap3A_702 = vector.shape_cast %broadcast_in_dim3A_675 : vector<16xi32> to vector<16xi32>
      tpu.vector_store %arg6[%swap3A_699], %swap3A_702 {strides = array<i32>} : memref<2048xi32, #tpu.memory_space<vmem>>, vector<16xi32>,
      %swap3A_703 = arith.constant 1136 : index
      %swap3A_704 = tpu.vector_load %arg6[%swap3A_703] {strides = array<i32>} : memref<2048xi32, #tpu.memory_space<vmem>>, vector<16xi32>,
      %swap3A_705 = vector.shape_cast %swap3A_704 : vector<16xi32> to vector<16xi32>
      %swap3A_706 = vector.shape_cast %broadcast_in_dim3A_675 : vector<16xi32> to vector<16xi32>
      tpu.vector_store %arg6[%swap3A_703], %swap3A_706 {strides = array<i32>} : memref<2048xi32, #tpu.memory_space<vmem>>, vector<16xi32>,
      %swap3A_707 = arith.constant 1152 : index
      %swap3A_708 = tpu.vector_load %arg6[%swap3A_707] {strides = array<i32>} : memref<2048xi32, #tpu.memory_space<vmem>>, vector<16xi32>,
      %swap3A_709 = vector.shape_cast %swap3A_708 : vector<16xi32> to vector<16xi32>
      %swap3A_710 = vector.shape_cast %broadcast_in_dim3A_675 : vector<16xi32> to vector<16xi32>
      tpu.vector_store %arg6[%swap3A_707], %swap3A_710 {strides = array<i32>} : memref<2048xi32, #tpu.memory_space<vmem>>, vector<16xi32>,
      %swap3A_711 = arith.constant 1168 : index
      %swap3A_712 = tpu.vector_load %arg6[%swap3A_711] {strides = array<i32>} : memref<2048xi32, #tpu.memory_space<vmem>>, vector<16xi32>,
      %swap3A_713 = vector.shape_cast %swap3A_712 : vector<16xi32> to vector<16xi32>
      %swap3A_714 = vector.shape_cast %broadcast_in_dim3A_675 : vector<16xi32> to vector<16xi32>
      tpu.vector_store %arg6[%swap3A_711], %swap3A_714 {strides = array<i32>} : memref<2048xi32, #tpu.memory_space<vmem>>, vector<16xi32>,
      %swap3A_715 = arith.constant 1184 : index
      %swap3A_716 = tpu.vector_load %arg6[%swap3A_715] {strides = array<i32>} : memref<2048xi32, #tpu.memory_space<vmem>>, vector<16xi32>,
      %swap3A_717 = vector.shape_cast %swap3A_716 : vector<16xi32> to vector<16xi32>
      %swap3A_718 = vector.shape_cast %broadcast_in_dim3A_675 : vector<16xi32> to vector<16xi32>
      tpu.vector_store %arg6[%swap3A_715], %swap3A_718 {strides = array<i32>} : memref<2048xi32, #tpu.memory_space<vmem>>, vector<16xi32>,
      %swap3A_719 = arith.constant 1200 : index
      %swap3A_720 = tpu.vector_load %arg6[%swap3A_719] {strides = array<i32>} : memref<2048xi32, #tpu.memory_space<vmem>>, vector<16xi32>,
      %swap3A_721 = vector.shape_cast %swap3A_720 : vector<16xi32> to vector<16xi32>
      %swap3A_722 = vector.shape_cast %broadcast_in_dim3A_675 : vector<16xi32> to vector<16xi32>
      tpu.vector_store %arg6[%swap3A_719], %swap3A_722 {strides = array<i32>} : memref<2048xi32, #tpu.memory_space<vmem>>, vector<16xi32>,
      %swap3A_723 = arith.constant 1216 : index
      %swap3A_724 = tpu.vector_load %arg6[%swap3A_723] {strides = array<i32>} : memref<2048xi32, #tpu.memory_space<vmem>>, vector<16xi32>,
      %swap3A_725 = vector.shape_cast %swap3A_724 : vector<16xi32> to vector<16xi32>
      %swap3A_726 = vector.shape_cast %broadcast_in_dim3A_675 : vector<16xi32> to vector<16xi32>
      tpu.vector_store %arg6[%swap3A_723], %swap3A_726 {strides = array<i32>} : memref<2048xi32, #tpu.memory_space<vmem>>, vector<16xi32>,
      %swap3A_727 = arith.constant 1232 : index
      %swap3A_728 = tpu.vector_load %arg6[%swap3A_727] {strides = array<i32>} : memref<2048xi32, #tpu.memory_space<vmem>>, vector<16xi32>,
      %swap3A_729 = vector.shape_cast %swap3A_728 : vector<16xi32> to vector<16xi32>
      %swap3A_730 = vector.shape_cast %broadcast_in_dim3A_675 : vector<16xi32> to vector<16xi32>
      tpu.vector_store %arg6[%swap3A_727], %swap3A_730 {strides = array<i32>} : memref<2048xi32, #tpu.memory_space<vmem>>, vector<16xi32>,
      %swap3A_731 = arith.constant 1248 : index
      %swap3A_732 = tpu.vector_load %arg6[%swap3A_731] {strides = array<i32>} : memref<2048xi32, #tpu.memory_space<vmem>>, vector<16xi32>,
      %swap3A_733 = vector.shape_cast %swap3A_732 : vector<16xi32> to vector<16xi32>
      %swap3A_734 = vector.shape_cast %broadcast_in_dim3A_675 : vector<16xi32> to vector<16xi32>
      tpu.vector_store %arg6[%swap3A_731], %swap3A_734 {strides = array<i32>} : memref<2048xi32, #tpu.memory_space<vmem>>, vector<16xi32>,
      %swap3A_735 = arith.constant 1264 : index
      %swap3A_736 = tpu.vector_load %arg6[%swap3A_735] {strides = array<i32>} : memref<2048xi32, #tpu.memory_space<vmem>>, vector<16xi32>,
      %swap3A_737 = vector.shape_cast %swap3A_736 : vector<16xi32> to vector<16xi32>
      %swap3A_738 = vector.shape_cast %broadcast_in_dim3A_675 : vector<16xi32> to vector<16xi32>
      tpu.vector_store %arg6[%swap3A_735], %swap3A_738 {strides = array<i32>} : memref<2048xi32, #tpu.memory_space<vmem>>, vector<16xi32>,
      %swap3A_739 = arith.constant 1280 : index
      %swap3A_740 = tpu.vector_load %arg6[%swap3A_739] {strides = array<i32>} : memref<2048xi32, #tpu.memory_space<vmem>>, vector<16xi32>,
      %swap3A_741 = vector.shape_cast %swap3A_740 : vector<16xi32> to vector<16xi32>
      %swap3A_742 = vector.shape_cast %broadcast_in_dim3A_675 : vector<16xi32> to vector<16xi32>
      tpu.vector_store %arg6[%swap3A_739], %swap3A_742 {strides = array<i32>} : memref<2048xi32, #tpu.memory_space<vmem>>, vector<16xi32>,
      %swap3A_743 = arith.constant 1296 : index
      %swap3A_744 = tpu.vector_load %arg6[%swap3A_743] {strides = array<i32>} : memref<2048xi32, #tpu.memory_space<vmem>>, vector<16xi32>,
      %swap3A_745 = vector.shape_cast %swap3A_744 : vector<16xi32> to vector<16xi32>
      %swap3A_746 = vector.shape_cast %broadcast_in_dim3A_675 : vector<16xi32> to vector<16xi32>
      tpu.vector_store %arg6[%swap3A_743], %swap3A_746 {strides = array<i32>} : memref<2048xi32, #tpu.memory_space<vmem>>, vector<16xi32>,
      %swap3A_747 = arith.constant 1312 : index
      %swap3A_748 = tpu.vector_load %arg6[%swap3A_747] {strides = array<i32>} : memref<2048xi32, #tpu.memory_space<vmem>>, vector<16xi32>,
      %swap3A_749 = vector.shape_cast %swap3A_748 : vector<16xi32> to vector<16xi32>
      %swap3A_750 = vector.shape_cast %broadcast_in_dim3A_675 : vector<16xi32> to vector<16xi32>
      tpu.vector_store %arg6[%swap3A_747], %swap3A_750 {strides = array<i32>} : memref<2048xi32, #tpu.memory_space<vmem>>, vector<16xi32>,
      %swap3A_751 = arith.constant 1328 : index
      %swap3A_752 = tpu.vector_load %arg6[%swap3A_751] {strides = array<i32>} : memref<2048xi32, #tpu.memory_space<vmem>>, vector<16xi32>,
      %swap3A_753 = vector.shape_cast %swap3A_752 : vector<16xi32> to vector<16xi32>
      %swap3A_754 = vector.shape_cast %broadcast_in_dim3A_675 : vector<16xi32> to vector<16xi32>
      tpu.vector_store %arg6[%swap3A_751], %swap3A_754 {strides = array<i32>} : memref<2048xi32, #tpu.memory_space<vmem>>, vector<16xi32>,
      %swap3A_755 = arith.constant 1344 : index
      %swap3A_756 = tpu.vector_load %arg6[%swap3A_755] {strides = array<i32>} : memref<2048xi32, #tpu.memory_space<vmem>>, vector<16xi32>,
      %swap3A_757 = vector.shape_cast %swap3A_756 : vector<16xi32> to vector<16xi32>
      %swap3A_758 = vector.shape_cast %broadcast_in_dim3A_675 : vector<16xi32> to vector<16xi32>
      tpu.vector_store %arg6[%swap3A_755], %swap3A_758 {strides = array<i32>} : memref<2048xi32, #tpu.memory_space<vmem>>, vector<16xi32>,
      %swap3A_759 = arith.constant 1360 : index
      %swap3A_760 = tpu.vector_load %arg6[%swap3A_759] {strides = array<i32>} : memref<2048xi32, #tpu.memory_space<vmem>>, vector<16xi32>,
      %swap3A_761 = vector.shape_cast %swap3A_760 : vector<16xi32> to vector<16xi32>
      %swap3A_762 = vector.shape_cast %broadcast_in_dim3A_675 : vector<16xi32> to vector<16xi32>
      tpu.vector_store %arg6[%swap3A_759], %swap3A_762 {strides = array<i32>} : memref<2048xi32, #tpu.memory_space<vmem>>, vector<16xi32>,
      %swap3A_763 = arith.constant 1376 : index
      %swap3A_764 = tpu.vector_load %arg6[%swap3A_763] {strides = array<i32>} : memref<2048xi32, #tpu.memory_space<vmem>>, vector<16xi32>,
      %swap3A_765 = vector.shape_cast %swap3A_764 : vector<16xi32> to vector<16xi32>
      %swap3A_766 = vector.shape_cast %broadcast_in_dim3A_675 : vector<16xi32> to vector<16xi32>
      tpu.vector_store %arg6[%swap3A_763], %swap3A_766 {strides = array<i32>} : memref<2048xi32, #tpu.memory_space<vmem>>, vector<16xi32>,
      %swap3A_767 = arith.constant 1392 : index
      %swap3A_768 = tpu.vector_load %arg6[%swap3A_767] {strides = array<i32>} : memref<2048xi32, #tpu.memory_space<vmem>>, vector<16xi32>,
      %swap3A_769 = vector.shape_cast %swap3A_768 : vector<16xi32> to vector<16xi32>
      %swap3A_770 = vector.shape_cast %broadcast_in_dim3A_675 : vector<16xi32> to vector<16xi32>
      tpu.vector_store %arg6[%swap3A_767], %swap3A_770 {strides = array<i32>} : memref<2048xi32, #tpu.memory_space<vmem>>, vector<16xi32>,
      %swap3A_771 = arith.constant 1408 : index
      %swap3A_772 = tpu.vector_load %arg6[%swap3A_771] {strides = array<i32>} : memref<2048xi32, #tpu.memory_space<vmem>>, vector<16xi32>,
      %swap3A_773 = vector.shape_cast %swap3A_772 : vector<16xi32> to vector<16xi32>
      %swap3A_774 = vector.shape_cast %broadcast_in_dim3A_675 : vector<16xi32> to vector<16xi32>
      tpu.vector_store %arg6[%swap3A_771], %swap3A_774 {strides = array<i32>} : memref<2048xi32, #tpu.memory_space<vmem>>, vector<16xi32>,
      %swap3A_775 = arith.constant 1424 : index
      %swap3A_776 = tpu.vector_load %arg6[%swap3A_775] {strides = array<i32>} : memref<2048xi32, #tpu.memory_space<vmem>>, vector<16xi32>,
      %swap3A_777 = vector.shape_cast %swap3A_776 : vector<16xi32> to vector<16xi32>
      %swap3A_778 = vector.shape_cast %broadcast_in_dim3A_675 : vector<16xi32> to vector<16xi32>
      tpu.vector_store %arg6[%swap3A_775], %swap3A_778 {strides = array<i32>} : memref<2048xi32, #tpu.memory_space<vmem>>, vector<16xi32>,
      %swap3A_779 = arith.constant 1440 : index
      %swap3A_780 = tpu.vector_load %arg6[%swap3A_779] {strides = array<i32>} : memref<2048xi32, #tpu.memory_space<vmem>>, vector<16xi32>,
      %swap3A_781 = vector.shape_cast %swap3A_780 : vector<16xi32> to vector<16xi32>
      %swap3A_782 = vector.shape_cast %broadcast_in_dim3A_675 : vector<16xi32> to vector<16xi32>
      tpu.vector_store %arg6[%swap3A_779], %swap3A_782 {strides = array<i32>} : memref<2048xi32, #tpu.memory_space<vmem>>, vector<16xi32>,
      %swap3A_783 = arith.constant 1456 : index
      %swap3A_784 = tpu.vector_load %arg6[%swap3A_783] {strides = array<i32>} : memref<2048xi32, #tpu.memory_space<vmem>>, vector<16xi32>,
      %swap3A_785 = vector.shape_cast %swap3A_784 : vector<16xi32> to vector<16xi32>
      %swap3A_786 = vector.shape_cast %broadcast_in_dim3A_675 : vector<16xi32> to vector<16xi32>
      tpu.vector_store %arg6[%swap3A_783], %swap3A_786 {strides = array<i32>} : memref<2048xi32, #tpu.memory_space<vmem>>, vector<16xi32>,
      %swap3A_787 = arith.constant 1472 : index
      %swap3A_788 = tpu.vector_load %arg6[%swap3A_787] {strides = array<i32>} : memref<2048xi32, #tpu.memory_space<vmem>>, vector<16xi32>,
      %swap3A_789 = vector.shape_cast %swap3A_788 : vector<16xi32> to vector<16xi32>
      %swap3A_790 = vector.shape_cast %broadcast_in_dim3A_675 : vector<16xi32> to vector<16xi32>
      tpu.vector_store %arg6[%swap3A_787], %swap3A_790 {strides = array<i32>} : memref<2048xi32, #tpu.memory_space<vmem>>, vector<16xi32>,
      %swap3A_791 = arith.constant 1488 : index
      %swap3A_792 = tpu.vector_load %arg6[%swap3A_791] {strides = array<i32>} : memref<2048xi32, #tpu.memory_space<vmem>>, vector<16xi32>,
      %swap3A_793 = vector.shape_cast %swap3A_792 : vector<16xi32> to vector<16xi32>
      %swap3A_794 = vector.shape_cast %broadcast_in_dim3A_675 : vector<16xi32> to vector<16xi32>
      tpu.vector_store %arg6[%swap3A_791], %swap3A_794 {strides = array<i32>} : memref<2048xi32, #tpu.memory_space<vmem>>, vector<16xi32>,
      %swap3A_795 = arith.constant 1504 : index
      %swap3A_796 = tpu.vector_load %arg6[%swap3A_795] {strides = array<i32>} : memref<2048xi32, #tpu.memory_space<vmem>>, vector<16xi32>,
      %swap3A_797 = vector.shape_cast %swap3A_796 : vector<16xi32> to vector<16xi32>
      %swap3A_798 = vector.shape_cast %broadcast_in_dim3A_675 : vector<16xi32> to vector<16xi32>
      tpu.vector_store %arg6[%swap3A_795], %swap3A_798 {strides = array<i32>} : memref<2048xi32, #tpu.memory_space<vmem>>, vector<16xi32>,
      %swap3A_799 = arith.constant 1520 : index
      %swap3A_800 = tpu.vector_load %arg6[%swap3A_799] {strides = array<i32>} : memref<2048xi32, #tpu.memory_space<vmem>>, vector<16xi32>,
      %swap3A_801 = vector.shape_cast %swap3A_800 : vector<16xi32> to vector<16xi32>
      %swap3A_802 = vector.shape_cast %broadcast_in_dim3A_675 : vector<16xi32> to vector<16xi32>
      tpu.vector_store %arg6[%swap3A_799], %swap3A_802 {strides = array<i32>} : memref<2048xi32, #tpu.memory_space<vmem>>, vector<16xi32>,
      %swap3A_803 = arith.constant 1536 : index
      %swap3A_804 = tpu.vector_load %arg6[%swap3A_803] {strides = array<i32>} : memref<2048xi32, #tpu.memory_space<vmem>>, vector<16xi32>,
      %swap3A_805 = vector.shape_cast %swap3A_804 : vector<16xi32> to vector<16xi32>
      %swap3A_806 = vector.shape_cast %broadcast_in_dim3A_675 : vector<16xi32> to vector<16xi32>
      tpu.vector_store %arg6[%swap3A_803], %swap3A_806 {strides = array<i32>} : memref<2048xi32, #tpu.memory_space<vmem>>, vector<16xi32>,
      %swap3A_807 = arith.constant 1552 : index
      %swap3A_808 = tpu.vector_load %arg6[%swap3A_807] {strides = array<i32>} : memref<2048xi32, #tpu.memory_space<vmem>>, vector<16xi32>,
      %swap3A_809 = vector.shape_cast %swap3A_808 : vector<16xi32> to vector<16xi32>
      %swap3A_810 = vector.shape_cast %broadcast_in_dim3A_675 : vector<16xi32> to vector<16xi32>
      tpu.vector_store %arg6[%swap3A_807], %swap3A_810 {strides = array<i32>} : memref<2048xi32, #tpu.memory_space<vmem>>, vector<16xi32>,
      %swap3A_811 = arith.constant 1568 : index
      %swap3A_812 = tpu.vector_load %arg6[%swap3A_811] {strides = array<i32>} : memref<2048xi32, #tpu.memory_space<vmem>>, vector<16xi32>,
      %swap3A_813 = vector.shape_cast %swap3A_812 : vector<16xi32> to vector<16xi32>
      %swap3A_814 = vector.shape_cast %broadcast_in_dim3A_675 : vector<16xi32> to vector<16xi32>
      tpu.vector_store %arg6[%swap3A_811], %swap3A_814 {strides = array<i32>} : memref<2048xi32, #tpu.memory_space<vmem>>, vector<16xi32>,
      %swap3A_815 = arith.constant 1584 : index
      %swap3A_816 = tpu.vector_load %arg6[%swap3A_815] {strides = array<i32>} : memref<2048xi32, #tpu.memory_space<vmem>>, vector<16xi32>,
      %swap3A_817 = vector.shape_cast %swap3A_816 : vector<16xi32> to vector<16xi32>
      %swap3A_818 = vector.shape_cast %broadcast_in_dim3A_675 : vector<16xi32> to vector<16xi32>
      tpu.vector_store %arg6[%swap3A_815], %swap3A_818 {strides = array<i32>} : memref<2048xi32, #tpu.memory_space<vmem>>, vector<16xi32>,
      %swap3A_819 = arith.constant 1600 : index
      %swap3A_820 = tpu.vector_load %arg6[%swap3A_819] {strides = array<i32>} : memref<2048xi32, #tpu.memory_space<vmem>>, vector<16xi32>,
      %swap3A_821 = vector.shape_cast %swap3A_820 : vector<16xi32> to vector<16xi32>
      %swap3A_822 = vector.shape_cast %broadcast_in_dim3A_675 : vector<16xi32> to vector<16xi32>
      tpu.vector_store %arg6[%swap3A_819], %swap3A_822 {strides = array<i32>} : memref<2048xi32, #tpu.memory_space<vmem>>, vector<16xi32>,
      %swap3A_823 = arith.constant 1616 : index
      %swap3A_824 = tpu.vector_load %arg6[%swap3A_823] {strides = array<i32>} : memref<2048xi32, #tpu.memory_space<vmem>>, vector<16xi32>,
      %swap3A_825 = vector.shape_cast %swap3A_824 : vector<16xi32> to vector<16xi32>
      %swap3A_826 = vector.shape_cast %broadcast_in_dim3A_675 : vector<16xi32> to vector<16xi32>
      tpu.vector_store %arg6[%swap3A_823], %swap3A_826 {strides = array<i32>} : memref<2048xi32, #tpu.memory_space<vmem>>, vector<16xi32>,
      %swap3A_827 = arith.constant 1632 : index
      %swap3A_828 = tpu.vector_load %arg6[%swap3A_827] {strides = array<i32>} : memref<2048xi32, #tpu.memory_space<vmem>>, vector<16xi32>,
      %swap3A_829 = vector.shape_cast %swap3A_828 : vector<16xi32> to vector<16xi32>
      %swap3A_830 = vector.shape_cast %broadcast_in_dim3A_675 : vector<16xi32> to vector<16xi32>
      tpu.vector_store %arg6[%swap3A_827], %swap3A_830 {strides = array<i32>} : memref<2048xi32, #tpu.memory_space<vmem>>, vector<16xi32>,
      %swap3A_831 = arith.constant 1648 : index
      %swap3A_832 = tpu.vector_load %arg6[%swap3A_831] {strides = array<i32>} : memref<2048xi32, #tpu.memory_space<vmem>>, vector<16xi32>,
      %swap3A_833 = vector.shape_cast %swap3A_832 : vector<16xi32> to vector<16xi32>
      %swap3A_834 = vector.shape_cast %broadcast_in_dim3A_675 : vector<16xi32> to vector<16xi32>
      tpu.vector_store %arg6[%swap3A_831], %swap3A_834 {strides = array<i32>} : memref<2048xi32, #tpu.memory_space<vmem>>, vector<16xi32>,
      %swap3A_835 = arith.constant 1664 : index
      %swap3A_836 = tpu.vector_load %arg6[%swap3A_835] {strides = array<i32>} : memref<2048xi32, #tpu.memory_space<vmem>>, vector<16xi32>,
      %swap3A_837 = vector.shape_cast %swap3A_836 : vector<16xi32> to vector<16xi32>
      %swap3A_838 = vector.shape_cast %broadcast_in_dim3A_675 : vector<16xi32> to vector<16xi32>
      tpu.vector_store %arg6[%swap3A_835], %swap3A_838 {strides = array<i32>} : memref<2048xi32, #tpu.memory_space<vmem>>, vector<16xi32>,
      %swap3A_839 = arith.constant 1680 : index
      %swap3A_840 = tpu.vector_load %arg6[%swap3A_839] {strides = array<i32>} : memref<2048xi32, #tpu.memory_space<vmem>>, vector<16xi32>,
      %swap3A_841 = vector.shape_cast %swap3A_840 : vector<16xi32> to vector<16xi32>
      %swap3A_842 = vector.shape_cast %broadcast_in_dim3A_675 : vector<16xi32> to vector<16xi32>
      tpu.vector_store %arg6[%swap3A_839], %swap3A_842 {strides = array<i32>} : memref<2048xi32, #tpu.memory_space<vmem>>, vector<16xi32>,
      %swap3A_843 = arith.constant 1696 : index
      %swap3A_844 = tpu.vector_load %arg6[%swap3A_843] {strides = array<i32>} : memref<2048xi32, #tpu.memory_space<vmem>>, vector<16xi32>,
      %swap3A_845 = vector.shape_cast %swap3A_844 : vector<16xi32> to vector<16xi32>
      %swap3A_846 = vector.shape_cast %broadcast_in_dim3A_675 : vector<16xi32> to vector<16xi32>
      tpu.vector_store %arg6[%swap3A_843], %swap3A_846 {strides = array<i32>} : memref<2048xi32, #tpu.memory_space<vmem>>, vector<16xi32>,
      %swap3A_847 = arith.constant 1712 : index
      %swap3A_848 = tpu.vector_load %arg6[%swap3A_847] {strides = array<i32>} : memref<2048xi32, #tpu.memory_space<vmem>>, vector<16xi32>,
      %swap3A_849 = vector.shape_cast %swap3A_848 : vector<16xi32> to vector<16xi32>
      %swap3A_850 = vector.shape_cast %broadcast_in_dim3A_675 : vector<16xi32> to vector<16xi32>
      tpu.vector_store %arg6[%swap3A_847], %swap3A_850 {strides = array<i32>} : memref<2048xi32, #tpu.memory_space<vmem>>, vector<16xi32>,
      %swap3A_851 = arith.constant 1728 : index
      %swap3A_852 = tpu.vector_load %arg6[%swap3A_851] {strides = array<i32>} : memref<2048xi32, #tpu.memory_space<vmem>>, vector<16xi32>,
      %swap3A_853 = vector.shape_cast %swap3A_852 : vector<16xi32> to vector<16xi32>
      %swap3A_854 = vector.shape_cast %broadcast_in_dim3A_675 : vector<16xi32> to vector<16xi32>
      tpu.vector_store %arg6[%swap3A_851], %swap3A_854 {strides = array<i32>} : memref<2048xi32, #tpu.memory_space<vmem>>, vector<16xi32>,
      %swap3A_855 = arith.constant 1744 : index
      %swap3A_856 = tpu.vector_load %arg6[%swap3A_855] {strides = array<i32>} : memref<2048xi32, #tpu.memory_space<vmem>>, vector<16xi32>,
      %swap3A_857 = vector.shape_cast %swap3A_856 : vector<16xi32> to vector<16xi32>
      %swap3A_858 = vector.shape_cast %broadcast_in_dim3A_675 : vector<16xi32> to vector<16xi32>
      tpu.vector_store %arg6[%swap3A_855], %swap3A_858 {strides = array<i32>} : memref<2048xi32, #tpu.memory_space<vmem>>, vector<16xi32>,
      %swap3A_859 = arith.constant 1760 : index
      %swap3A_860 = tpu.vector_load %arg6[%swap3A_859] {strides = array<i32>} : memref<2048xi32, #tpu.memory_space<vmem>>, vector<16xi32>,
      %swap3A_861 = vector.shape_cast %swap3A_860 : vector<16xi32> to vector<16xi32>
      %swap3A_862 = vector.shape_cast %broadcast_in_dim3A_675 : vector<16xi32> to vector<16xi32>
      tpu.vector_store %arg6[%swap3A_859], %swap3A_862 {strides = array<i32>} : memref<2048xi32, #tpu.memory_space<vmem>>, vector<16xi32>,
      %swap3A_863 = arith.constant 1776 : index
      %swap3A_864 = tpu.vector_load %arg6[%swap3A_863] {strides = array<i32>} : memref<2048xi32, #tpu.memory_space<vmem>>, vector<16xi32>,
      %swap3A_865 = vector.shape_cast %swap3A_864 : vector<16xi32> to vector<16xi32>
      %swap3A_866 = vector.shape_cast %broadcast_in_dim3A_675 : vector<16xi32> to vector<16xi32>
      tpu.vector_store %arg6[%swap3A_863], %swap3A_866 {strides = array<i32>} : memref<2048xi32, #tpu.memory_space<vmem>>, vector<16xi32>,
      %swap3A_867 = arith.constant 1792 : index
      %swap3A_868 = tpu.vector_load %arg6[%swap3A_867] {strides = array<i32>} : memref<2048xi32, #tpu.memory_space<vmem>>, vector<16xi32>,
      %swap3A_869 = vector.shape_cast %swap3A_868 : vector<16xi32> to vector<16xi32>
      %swap3A_870 = vector.shape_cast %broadcast_in_dim3A_675 : vector<16xi32> to vector<16xi32>
      tpu.vector_store %arg6[%swap3A_867], %swap3A_870 {strides = array<i32>} : memref<2048xi32, #tpu.memory_space<vmem>>, vector<16xi32>,
      %swap3A_871 = arith.constant 1808 : index
      %swap3A_872 = tpu.vector_load %arg6[%swap3A_871] {strides = array<i32>} : memref<2048xi32, #tpu.memory_space<vmem>>, vector<16xi32>,
      %swap3A_873 = vector.shape_cast %swap3A_872 : vector<16xi32> to vector<16xi32>
      %swap3A_874 = vector.shape_cast %broadcast_in_dim3A_675 : vector<16xi32> to vector<16xi32>
      tpu.vector_store %arg6[%swap3A_871], %swap3A_874 {strides = array<i32>} : memref<2048xi32, #tpu.memory_space<vmem>>, vector<16xi32>,
      %swap3A_875 = arith.constant 1824 : index
      %swap3A_876 = tpu.vector_load %arg6[%swap3A_875] {strides = array<i32>} : memref<2048xi32, #tpu.memory_space<vmem>>, vector<16xi32>,
      %swap3A_877 = vector.shape_cast %swap3A_876 : vector<16xi32> to vector<16xi32>
      %swap3A_878 = vector.shape_cast %broadcast_in_dim3A_675 : vector<16xi32> to vector<16xi32>
      tpu.vector_store %arg6[%swap3A_875], %swap3A_878 {strides = array<i32>} : memref<2048xi32, #tpu.memory_space<vmem>>, vector<16xi32>,
      %swap3A_879 = arith.constant 1840 : index
      %swap3A_880 = tpu.vector_load %arg6[%swap3A_879] {strides = array<i32>} : memref<2048xi32, #tpu.memory_space<vmem>>, vector<16xi32>,
      %swap3A_881 = vector.shape_cast %swap3A_880 : vector<16xi32> to vector<16xi32>
      %swap3A_882 = vector.shape_cast %broadcast_in_dim3A_675 : vector<16xi32> to vector<16xi32>
      tpu.vector_store %arg6[%swap3A_879], %swap3A_882 {strides = array<i32>} : memref<2048xi32, #tpu.memory_space<vmem>>, vector<16xi32>,
      %swap3A_883 = arith.constant 1856 : index
      %swap3A_884 = tpu.vector_load %arg6[%swap3A_883] {strides = array<i32>} : memref<2048xi32, #tpu.memory_space<vmem>>, vector<16xi32>,
      %swap3A_885 = vector.shape_cast %swap3A_884 : vector<16xi32> to vector<16xi32>
      %swap3A_886 = vector.shape_cast %broadcast_in_dim3A_675 : vector<16xi32> to vector<16xi32>
      tpu.vector_store %arg6[%swap3A_883], %swap3A_886 {strides = array<i32>} : memref<2048xi32, #tpu.memory_space<vmem>>, vector<16xi32>,
      %swap3A_887 = arith.constant 1872 : index
      %swap3A_888 = tpu.vector_load %arg6[%swap3A_887] {strides = array<i32>} : memref<2048xi32, #tpu.memory_space<vmem>>, vector<16xi32>,
      %swap3A_889 = vector.shape_cast %swap3A_888 : vector<16xi32> to vector<16xi32>
      %swap3A_890 = vector.shape_cast %broadcast_in_dim3A_675 : vector<16xi32> to vector<16xi32>
      tpu.vector_store %arg6[%swap3A_887], %swap3A_890 {strides = array<i32>} : memref<2048xi32, #tpu.memory_space<vmem>>, vector<16xi32>,
      %swap3A_891 = arith.constant 1888 : index
      %swap3A_892 = tpu.vector_load %arg6[%swap3A_891] {strides = array<i32>} : memref<2048xi32, #tpu.memory_space<vmem>>, vector<16xi32>,
      %swap3A_893 = vector.shape_cast %swap3A_892 : vector<16xi32> to vector<16xi32>
      %swap3A_894 = vector.shape_cast %broadcast_in_dim3A_675 : vector<16xi32> to vector<16xi32>
      tpu.vector_store %arg6[%swap3A_891], %swap3A_894 {strides = array<i32>} : memref<2048xi32, #tpu.memory_space<vmem>>, vector<16xi32>,
      %swap3A_895 = arith.constant 1904 : index
      %swap3A_896 = tpu.vector_load %arg6[%swap3A_895] {strides = array<i32>} : memref<2048xi32, #tpu.memory_space<vmem>>, vector<16xi32>,
      %swap3A_897 = vector.shape_cast %swap3A_896 : vector<16xi32> to vector<16xi32>
      %swap3A_898 = vector.shape_cast %broadcast_in_dim3A_675 : vector<16xi32> to vector<16xi32>
      tpu.vector_store %arg6[%swap3A_895], %swap3A_898 {strides = array<i32>} : memref<2048xi32, #tpu.memory_space<vmem>>, vector<16xi32>,
      %swap3A_899 = arith.constant 1920 : index
      %swap3A_900 = tpu.vector_load %arg6[%swap3A_899] {strides = array<i32>} : memref<2048xi32, #tpu.memory_space<vmem>>, vector<16xi32>,
      %swap3A_901 = vector.shape_cast %swap3A_900 : vector<16xi32> to vector<16xi32>
      %swap3A_902 = vector.shape_cast %broadcast_in_dim3A_675 : vector<16xi32> to vector<16xi32>
      tpu.vector_store %arg6[%swap3A_899], %swap3A_902 {strides = array<i32>} : memref<2048xi32, #tpu.memory_space<vmem>>, vector<16xi32>,
      %swap3A_903 = arith.constant 1936 : index
      %swap3A_904 = tpu.vector_load %arg6[%swap3A_903] {strides = array<i32>} : memref<2048xi32, #tpu.memory_space<vmem>>, vector<16xi32>,
      %swap3A_905 = vector.shape_cast %swap3A_904 : vector<16xi32> to vector<16xi32>
      %swap3A_906 = vector.shape_cast %broadcast_in_dim3A_675 : vector<16xi32> to vector<16xi32>
      tpu.vector_store %arg6[%swap3A_903], %swap3A_906 {strides = array<i32>} : memref<2048xi32, #tpu.memory_space<vmem>>, vector<16xi32>,
      %swap3A_907 = arith.constant 1952 : index
      %swap3A_908 = tpu.vector_load %arg6[%swap3A_907] {strides = array<i32>} : memref<2048xi32, #tpu.memory_space<vmem>>, vector<16xi32>,
      %swap3A_909 = vector.shape_cast %swap3A_908 : vector<16xi32> to vector<16xi32>
      %swap3A_910 = vector.shape_cast %broadcast_in_dim3A_675 : vector<16xi32> to vector<16xi32>
      tpu.vector_store %arg6[%swap3A_907], %swap3A_910 {strides = array<i32>} : memref<2048xi32, #tpu.memory_space<vmem>>, vector<16xi32>,
      %swap3A_911 = arith.constant 1968 : index
      %swap3A_912 = tpu.vector_load %arg6[%swap3A_911] {strides = array<i32>} : memref<2048xi32, #tpu.memory_space<vmem>>, vector<16xi32>,
      %swap3A_913 = vector.shape_cast %swap3A_912 : vector<16xi32> to vector<16xi32>
      %swap3A_914 = vector.shape_cast %broadcast_in_dim3A_675 : vector<16xi32> to vector<16xi32>
      tpu.vector_store %arg6[%swap3A_911], %swap3A_914 {strides = array<i32>} : memref<2048xi32, #tpu.memory_space<vmem>>, vector<16xi32>,
      %swap3A_915 = arith.constant 1984 : index
      %swap3A_916 = tpu.vector_load %arg6[%swap3A_915] {strides = array<i32>} : memref<2048xi32, #tpu.memory_space<vmem>>, vector<16xi32>,
      %swap3A_917 = vector.shape_cast %swap3A_916 : vector<16xi32> to vector<16xi32>
      %swap3A_918 = vector.shape_cast %broadcast_in_dim3A_675 : vector<16xi32> to vector<16xi32>
      tpu.vector_store %arg6[%swap3A_915], %swap3A_918 {strides = array<i32>} : memref<2048xi32, #tpu.memory_space<vmem>>, vector<16xi32>,
      %swap3A_919 = arith.constant 2000 : index
      %swap3A_920 = tpu.vector_load %arg6[%swap3A_919] {strides = array<i32>} : memref<2048xi32, #tpu.memory_space<vmem>>, vector<16xi32>,
      %swap3A_921 = vector.shape_cast %swap3A_920 : vector<16xi32> to vector<16xi32>
      %swap3A_922 = vector.shape_cast %broadcast_in_dim3A_675 : vector<16xi32> to vector<16xi32>
      tpu.vector_store %arg6[%swap3A_919], %swap3A_922 {strides = array<i32>} : memref<2048xi32, #tpu.memory_space<vmem>>, vector<16xi32>,
      %swap3A_923 = arith.constant 2016 : index
      %swap3A_924 = tpu.vector_load %arg6[%swap3A_923] {strides = array<i32>} : memref<2048xi32, #tpu.memory_space<vmem>>, vector<16xi32>,
      %swap3A_925 = vector.shape_cast %swap3A_924 : vector<16xi32> to vector<16xi32>
      %swap3A_926 = vector.shape_cast %broadcast_in_dim3A_675 : vector<16xi32> to vector<16xi32>
      tpu.vector_store %arg6[%swap3A_923], %swap3A_926 {strides = array<i32>} : memref<2048xi32, #tpu.memory_space<vmem>>, vector<16xi32>,
      %swap3A_927 = arith.constant 2032 : index
      %swap3A_928 = tpu.vector_load %arg6[%swap3A_927] {strides = array<i32>} : memref<2048xi32, #tpu.memory_space<vmem>>, vector<16xi32>,
      %swap3A_929 = vector.shape_cast %swap3A_928 : vector<16xi32> to vector<16xi32>
      %swap3A_930 = vector.shape_cast %broadcast_in_dim3A_675 : vector<16xi32> to vector<16xi32>
      tpu.vector_store %arg6[%swap3A_927], %swap3A_930 {strides = array<i32>} : memref<2048xi32, #tpu.memory_space<vmem>>, vector<16xi32>,
      %iota3A = tpu.iota {dimensions = array<i32: 0>} : vector<16xi32>
      %get3A = arith.constant 0 : index
      %get3A_931 = tpu.vector_load %arg6[%get3A] {strides = array<i32>} : memref<2048xi32, #tpu.memory_space<vmem>>, vector<16xi32>,
      %get3A_932 = vector.shape_cast %get3A_931 : vector<16xi32> to vector<16xi32>
      %lt3A = arith.constant 4 : i32
      %lt3A_933 = vector.broadcast %lt3A : i32 to vector<16xi32>
      %lt3A_934 = arith.cmpi slt, %iota3A, %lt3A_933 : vector<16xi32>
      %jit3A = arith.constant 2048 : i32
      %broadcast_in_dim3A_935 = vector.broadcast %jit3A : i32 to vector<16xi32>
      %select_n3A = arith.select %lt3A_934, %broadcast_in_dim3A_935, %get3A_932 : vector<16xi1>, vector<16xi32>
      %swap3A_936 = arith.constant 0 : index
      %swap3A_937 = tpu.vector_load %arg6[%swap3A_936] {strides = array<i32>} : memref<2048xi32, #tpu.memory_space<vmem>>, vector<16xi32>,
      %swap3A_938 = vector.shape_cast %swap3A_937 : vector<16xi32> to vector<16xi32>
      %swap3A_939 = vector.shape_cast %select_n3A : vector<16xi32> to vector<16xi32>
      tpu.vector_store %arg6[%swap3A_936], %swap3A_939 {strides = array<i32>} : memref<2048xi32, #tpu.memory_space<vmem>>, vector<16xi32>,
      %run_scoped3A = arith.constant 0 : i32
      "tpu.region"() ({
        %run_scoped3A_947 = tpu.sem_alloc : memref<!tpu.dma_semaphore, #tpu.memory_space<semaphore_mem>>
        %dma_start3A_948 = arith.constant 0 : i32
        %dma_start3A_949 = tpu.memref_slice %arg5[%run_scoped3A, %dma_start3A_948] : memref<8x2048xi32, #tpu.memory_space<hbm>> -> memref<1x2048xi32, #tpu.memory_space<hbm>>
        %dma_start3A_950 = tpu.memref_squeeze %dma_start3A_949 : memref<1x2048xi32, #tpu.memory_space<hbm>> -> memref<2048xi32, #tpu.memory_space<hbm>>
        %dma_start3A_951 = arith.constant 0 : i32
        %dma_start3A_952 = tpu.memref_slice %arg5[%run_scoped3A, %dma_start3A_951] : memref<8x2048xi32, #tpu.memory_space<hbm>> -> memref<1x2048xi32, #tpu.memory_space<hbm>>
        %dma_start3A_953 = tpu.memref_squeeze %dma_start3A_952 : memref<1x2048xi32, #tpu.memory_space<hbm>> -> memref<2048xi32, #tpu.memory_space<hbm>>
        tpu.enqueue_dma source(%arg6 : memref<2048xi32, #tpu.memory_space<vmem>>) target(%dma_start3A_953 : memref<2048xi32, #tpu.memory_space<hbm>>) target_semaphore(%run_scoped3A_947 : memref<!tpu.dma_semaphore, #tpu.memory_space<semaphore_mem>>)
        %dma_wait3A_954 = arith.constant 0 : i32
        %dma_wait3A_955 = tpu.memref_slice %arg5[%run_scoped3A, %dma_wait3A_954] : memref<8x2048xi32, #tpu.memory_space<hbm>> -> memref<1x2048xi32, #tpu.memory_space<hbm>>
        %dma_wait3A_956 = tpu.memref_squeeze %dma_wait3A_955 : memref<1x2048xi32, #tpu.memory_space<hbm>> -> memref<2048xi32, #tpu.memory_space<hbm>>
        %dma_wait3A_957 = arith.constant 0 : i32
        %dma_wait3A_958 = tpu.memref_slice %arg5[%run_scoped3A, %dma_wait3A_957] : memref<8x2048xi32, #tpu.memory_space<hbm>> -> memref<1x2048xi32, #tpu.memory_space<hbm>>
        %dma_wait3A_959 = tpu.memref_squeeze %dma_wait3A_958 : memref<1x2048xi32, #tpu.memory_space<hbm>> -> memref<2048xi32, #tpu.memory_space<hbm>>
        tpu.wait_dma2 semaphore(%run_scoped3A_947 : memref<!tpu.dma_semaphore, #tpu.memory_space<semaphore_mem>>) src(%arg6 : memref<2048xi32, #tpu.memory_space<vmem>>) dst(%dma_wait3A_959 : memref<2048xi32, #tpu.memory_space<hbm>>)
        tpu.yield
      }) : () -> ()
      %run_scoped3A_940 = arith.constant 1 : i32
      "tpu.region"() ({
        %run_scoped3A_947 = tpu.sem_alloc : memref<!tpu.dma_semaphore, #tpu.memory_space<semaphore_mem>>
        %dma_start3A_948 = arith.constant 0 : i32
        %dma_start3A_949 = tpu.memref_slice %arg5[%run_scoped3A_940, %dma_start3A_948] : memref<8x2048xi32, #tpu.memory_space<hbm>> -> memref<1x2048xi32, #tpu.memory_space<hbm>>
        %dma_start3A_950 = tpu.memref_squeeze %dma_start3A_949 : memref<1x2048xi32, #tpu.memory_space<hbm>> -> memref<2048xi32, #tpu.memory_space<hbm>>
        %dma_start3A_951 = arith.constant 0 : i32
        %dma_start3A_952 = tpu.memref_slice %arg5[%run_scoped3A_940, %dma_start3A_951] : memref<8x2048xi32, #tpu.memory_space<hbm>> -> memref<1x2048xi32, #tpu.memory_space<hbm>>
        %dma_start3A_953 = tpu.memref_squeeze %dma_start3A_952 : memref<1x2048xi32, #tpu.memory_space<hbm>> -> memref<2048xi32, #tpu.memory_space<hbm>>
        tpu.enqueue_dma source(%arg6 : memref<2048xi32, #tpu.memory_space<vmem>>) target(%dma_start3A_953 : memref<2048xi32, #tpu.memory_space<hbm>>) target_semaphore(%run_scoped3A_947 : memref<!tpu.dma_semaphore, #tpu.memory_space<semaphore_mem>>)
        %dma_wait3A_954 = arith.constant 0 : i32
        %dma_wait3A_955 = tpu.memref_slice %arg5[%run_scoped3A_940, %dma_wait3A_954] : memref<8x2048xi32, #tpu.memory_space<hbm>> -> memref<1x2048xi32, #tpu.memory_space<hbm>>
        %dma_wait3A_956 = tpu.memref_squeeze %dma_wait3A_955 : memref<1x2048xi32, #tpu.memory_space<hbm>> -> memref<2048xi32, #tpu.memory_space<hbm>>
        %dma_wait3A_957 = arith.constant 0 : i32
        %dma_wait3A_958 = tpu.memref_slice %arg5[%run_scoped3A_940, %dma_wait3A_957] : memref<8x2048xi32, #tpu.memory_space<hbm>> -> memref<1x2048xi32, #tpu.memory_space<hbm>>
        %dma_wait3A_959 = tpu.memref_squeeze %dma_wait3A_958 : memref<1x2048xi32, #tpu.memory_space<hbm>> -> memref<2048xi32, #tpu.memory_space<hbm>>
        tpu.wait_dma2 semaphore(%run_scoped3A_947 : memref<!tpu.dma_semaphore, #tpu.memory_space<semaphore_mem>>) src(%arg6 : memref<2048xi32, #tpu.memory_space<vmem>>) dst(%dma_wait3A_959 : memref<2048xi32, #tpu.memory_space<hbm>>)
        tpu.yield
      }) : () -> ()
      %run_scoped3A_941 = arith.constant 2 : i32
      "tpu.region"() ({
        %run_scoped3A_947 = tpu.sem_alloc : memref<!tpu.dma_semaphore, #tpu.memory_space<semaphore_mem>>
        %dma_start3A_948 = arith.constant 0 : i32
        %dma_start3A_949 = tpu.memref_slice %arg5[%run_scoped3A_941, %dma_start3A_948] : memref<8x2048xi32, #tpu.memory_space<hbm>> -> memref<1x2048xi32, #tpu.memory_space<hbm>>
        %dma_start3A_950 = tpu.memref_squeeze %dma_start3A_949 : memref<1x2048xi32, #tpu.memory_space<hbm>> -> memref<2048xi32, #tpu.memory_space<hbm>>
        %dma_start3A_951 = arith.constant 0 : i32
        %dma_start3A_952 = tpu.memref_slice %arg5[%run_scoped3A_941, %dma_start3A_951] : memref<8x2048xi32, #tpu.memory_space<hbm>> -> memref<1x2048xi32, #tpu.memory_space<hbm>>
        %dma_start3A_953 = tpu.memref_squeeze %dma_start3A_952 : memref<1x2048xi32, #tpu.memory_space<hbm>> -> memref<2048xi32, #tpu.memory_space<hbm>>
        tpu.enqueue_dma source(%arg6 : memref<2048xi32, #tpu.memory_space<vmem>>) target(%dma_start3A_953 : memref<2048xi32, #tpu.memory_space<hbm>>) target_semaphore(%run_scoped3A_947 : memref<!tpu.dma_semaphore, #tpu.memory_space<semaphore_mem>>)
        %dma_wait3A_954 = arith.constant 0 : i32
        %dma_wait3A_955 = tpu.memref_slice %arg5[%run_scoped3A_941, %dma_wait3A_954] : memref<8x2048xi32, #tpu.memory_space<hbm>> -> memref<1x2048xi32, #tpu.memory_space<hbm>>
        %dma_wait3A_956 = tpu.memref_squeeze %dma_wait3A_955 : memref<1x2048xi32, #tpu.memory_space<hbm>> -> memref<2048xi32, #tpu.memory_space<hbm>>
        %dma_wait3A_957 = arith.constant 0 : i32
        %dma_wait3A_958 = tpu.memref_slice %arg5[%run_scoped3A_941, %dma_wait3A_957] : memref<8x2048xi32, #tpu.memory_space<hbm>> -> memref<1x2048xi32, #tpu.memory_space<hbm>>
        %dma_wait3A_959 = tpu.memref_squeeze %dma_wait3A_958 : memref<1x2048xi32, #tpu.memory_space<hbm>> -> memref<2048xi32, #tpu.memory_space<hbm>>
        tpu.wait_dma2 semaphore(%run_scoped3A_947 : memref<!tpu.dma_semaphore, #tpu.memory_space<semaphore_mem>>) src(%arg6 : memref<2048xi32, #tpu.memory_space<vmem>>) dst(%dma_wait3A_959 : memref<2048xi32, #tpu.memory_space<hbm>>)
        tpu.yield
      }) : () -> ()
      %run_scoped3A_942 = arith.constant 3 : i32
      "tpu.region"() ({
        %run_scoped3A_947 = tpu.sem_alloc : memref<!tpu.dma_semaphore, #tpu.memory_space<semaphore_mem>>
        %dma_start3A_948 = arith.constant 0 : i32
        %dma_start3A_949 = tpu.memref_slice %arg5[%run_scoped3A_942, %dma_start3A_948] : memref<8x2048xi32, #tpu.memory_space<hbm>> -> memref<1x2048xi32, #tpu.memory_space<hbm>>
        %dma_start3A_950 = tpu.memref_squeeze %dma_start3A_949 : memref<1x2048xi32, #tpu.memory_space<hbm>> -> memref<2048xi32, #tpu.memory_space<hbm>>
        %dma_start3A_951 = arith.constant 0 : i32
        %dma_start3A_952 = tpu.memref_slice %arg5[%run_scoped3A_942, %dma_start3A_951] : memref<8x2048xi32, #tpu.memory_space<hbm>> -> memref<1x2048xi32, #tpu.memory_space<hbm>>
        %dma_start3A_953 = tpu.memref_squeeze %dma_start3A_952 : memref<1x2048xi32, #tpu.memory_space<hbm>> -> memref<2048xi32, #tpu.memory_space<hbm>>
        tpu.enqueue_dma source(%arg6 : memref<2048xi32, #tpu.memory_space<vmem>>) target(%dma_start3A_953 : memref<2048xi32, #tpu.memory_space<hbm>>) target_semaphore(%run_scoped3A_947 : memref<!tpu.dma_semaphore, #tpu.memory_space<semaphore_mem>>)
        %dma_wait3A_954 = arith.constant 0 : i32
        %dma_wait3A_955 = tpu.memref_slice %arg5[%run_scoped3A_942, %dma_wait3A_954] : memref<8x2048xi32, #tpu.memory_space<hbm>> -> memref<1x2048xi32, #tpu.memory_space<hbm>>
        %dma_wait3A_956 = tpu.memref_squeeze %dma_wait3A_955 : memref<1x2048xi32, #tpu.memory_space<hbm>> -> memref<2048xi32, #tpu.memory_space<hbm>>
        %dma_wait3A_957 = arith.constant 0 : i32
        %dma_wait3A_958 = tpu.memref_slice %arg5[%run_scoped3A_942, %dma_wait3A_957] : memref<8x2048xi32, #tpu.memory_space<hbm>> -> memref<1x2048xi32, #tpu.memory_space<hbm>>
        %dma_wait3A_959 = tpu.memref_squeeze %dma_wait3A_958 : memref<1x2048xi32, #tpu.memory_space<hbm>> -> memref<2048xi32, #tpu.memory_space<hbm>>
        tpu.wait_dma2 semaphore(%run_scoped3A_947 : memref<!tpu.dma_semaphore, #tpu.memory_space<semaphore_mem>>) src(%arg6 : memref<2048xi32, #tpu.memory_space<vmem>>) dst(%dma_wait3A_959 : memref<2048xi32, #tpu.memory_space<hbm>>)
        tpu.yield
      }) : () -> ()
      %run_scoped3A_943 = arith.constant 4 : i32
      "tpu.region"() ({
        %run_scoped3A_947 = tpu.sem_alloc : memref<!tpu.dma_semaphore, #tpu.memory_space<semaphore_mem>>
        %dma_start3A_948 = arith.constant 0 : i32
        %dma_start3A_949 = tpu.memref_slice %arg5[%run_scoped3A_943, %dma_start3A_948] : memref<8x2048xi32, #tpu.memory_space<hbm>> -> memref<1x2048xi32, #tpu.memory_space<hbm>>
        %dma_start3A_950 = tpu.memref_squeeze %dma_start3A_949 : memref<1x2048xi32, #tpu.memory_space<hbm>> -> memref<2048xi32, #tpu.memory_space<hbm>>
        %dma_start3A_951 = arith.constant 0 : i32
        %dma_start3A_952 = tpu.memref_slice %arg5[%run_scoped3A_943, %dma_start3A_951] : memref<8x2048xi32, #tpu.memory_space<hbm>> -> memref<1x2048xi32, #tpu.memory_space<hbm>>
        %dma_start3A_953 = tpu.memref_squeeze %dma_start3A_952 : memref<1x2048xi32, #tpu.memory_space<hbm>> -> memref<2048xi32, #tpu.memory_space<hbm>>
        tpu.enqueue_dma source(%arg6 : memref<2048xi32, #tpu.memory_space<vmem>>) target(%dma_start3A_953 : memref<2048xi32, #tpu.memory_space<hbm>>) target_semaphore(%run_scoped3A_947 : memref<!tpu.dma_semaphore, #tpu.memory_space<semaphore_mem>>)
        %dma_wait3A_954 = arith.constant 0 : i32
        %dma_wait3A_955 = tpu.memref_slice %arg5[%run_scoped3A_943, %dma_wait3A_954] : memref<8x2048xi32, #tpu.memory_space<hbm>> -> memref<1x2048xi32, #tpu.memory_space<hbm>>
        %dma_wait3A_956 = tpu.memref_squeeze %dma_wait3A_955 : memref<1x2048xi32, #tpu.memory_space<hbm>> -> memref<2048xi32, #tpu.memory_space<hbm>>
        %dma_wait3A_957 = arith.constant 0 : i32
        %dma_wait3A_958 = tpu.memref_slice %arg5[%run_scoped3A_943, %dma_wait3A_957] : memref<8x2048xi32, #tpu.memory_space<hbm>> -> memref<1x2048xi32, #tpu.memory_space<hbm>>
        %dma_wait3A_959 = tpu.memref_squeeze %dma_wait3A_958 : memref<1x2048xi32, #tpu.memory_space<hbm>> -> memref<2048xi32, #tpu.memory_space<hbm>>
        tpu.wait_dma2 semaphore(%run_scoped3A_947 : memref<!tpu.dma_semaphore, #tpu.memory_space<semaphore_mem>>) src(%arg6 : memref<2048xi32, #tpu.memory_space<vmem>>) dst(%dma_wait3A_959 : memref<2048xi32, #tpu.memory_space<hbm>>)
        tpu.yield
      }) : () -> ()
      %run_scoped3A_944 = arith.constant 5 : i32
      "tpu.region"() ({
        %run_scoped3A_947 = tpu.sem_alloc : memref<!tpu.dma_semaphore, #tpu.memory_space<semaphore_mem>>
        %dma_start3A_948 = arith.constant 0 : i32
        %dma_start3A_949 = tpu.memref_slice %arg5[%run_scoped3A_944, %dma_start3A_948] : memref<8x2048xi32, #tpu.memory_space<hbm>> -> memref<1x2048xi32, #tpu.memory_space<hbm>>
        %dma_start3A_950 = tpu.memref_squeeze %dma_start3A_949 : memref<1x2048xi32, #tpu.memory_space<hbm>> -> memref<2048xi32, #tpu.memory_space<hbm>>
        %dma_start3A_951 = arith.constant 0 : i32
        %dma_start3A_952 = tpu.memref_slice %arg5[%run_scoped3A_944, %dma_start3A_951] : memref<8x2048xi32, #tpu.memory_space<hbm>> -> memref<1x2048xi32, #tpu.memory_space<hbm>>
        %dma_start3A_953 = tpu.memref_squeeze %dma_start3A_952 : memref<1x2048xi32, #tpu.memory_space<hbm>> -> memref<2048xi32, #tpu.memory_space<hbm>>
        tpu.enqueue_dma source(%arg6 : memref<2048xi32, #tpu.memory_space<vmem>>) target(%dma_start3A_953 : memref<2048xi32, #tpu.memory_space<hbm>>) target_semaphore(%run_scoped3A_947 : memref<!tpu.dma_semaphore, #tpu.memory_space<semaphore_mem>>)
        %dma_wait3A_954 = arith.constant 0 : i32
        %dma_wait3A_955 = tpu.memref_slice %arg5[%run_scoped3A_944, %dma_wait3A_954] : memref<8x2048xi32, #tpu.memory_space<hbm>> -> memref<1x2048xi32, #tpu.memory_space<hbm>>
        %dma_wait3A_956 = tpu.memref_squeeze %dma_wait3A_955 : memref<1x2048xi32, #tpu.memory_space<hbm>> -> memref<2048xi32, #tpu.memory_space<hbm>>
        %dma_wait3A_957 = arith.constant 0 : i32
        %dma_wait3A_958 = tpu.memref_slice %arg5[%run_scoped3A_944, %dma_wait3A_957] : memref<8x2048xi32, #tpu.memory_space<hbm>> -> memref<1x2048xi32, #tpu.memory_space<hbm>>
        %dma_wait3A_959 = tpu.memref_squeeze %dma_wait3A_958 : memref<1x2048xi32, #tpu.memory_space<hbm>> -> memref<2048xi32, #tpu.memory_space<hbm>>
        tpu.wait_dma2 semaphore(%run_scoped3A_947 : memref<!tpu.dma_semaphore, #tpu.memory_space<semaphore_mem>>) src(%arg6 : memref<2048xi32, #tpu.memory_space<vmem>>) dst(%dma_wait3A_959 : memref<2048xi32, #tpu.memory_space<hbm>>)
        tpu.yield
      }) : () -> ()
      %run_scoped3A_945 = arith.constant 6 : i32
      "tpu.region"() ({
        %run_scoped3A_947 = tpu.sem_alloc : memref<!tpu.dma_semaphore, #tpu.memory_space<semaphore_mem>>
        %dma_start3A_948 = arith.constant 0 : i32
        %dma_start3A_949 = tpu.memref_slice %arg5[%run_scoped3A_945, %dma_start3A_948] : memref<8x2048xi32, #tpu.memory_space<hbm>> -> memref<1x2048xi32, #tpu.memory_space<hbm>>
        %dma_start3A_950 = tpu.memref_squeeze %dma_start3A_949 : memref<1x2048xi32, #tpu.memory_space<hbm>> -> memref<2048xi32, #tpu.memory_space<hbm>>
        %dma_start3A_951 = arith.constant 0 : i32
        %dma_start3A_952 = tpu.memref_slice %arg5[%run_scoped3A_945, %dma_start3A_951] : memref<8x2048xi32, #tpu.memory_space<hbm>> -> memref<1x2048xi32, #tpu.memory_space<hbm>>
        %dma_start3A_953 = tpu.memref_squeeze %dma_start3A_952 : memref<1x2048xi32, #tpu.memory_space<hbm>> -> memref<2048xi32, #tpu.memory_space<hbm>>
        tpu.enqueue_dma source(%arg6 : memref<2048xi32, #tpu.memory_space<vmem>>) target(%dma_start3A_953 : memref<2048xi32, #tpu.memory_space<hbm>>) target_semaphore(%run_scoped3A_947 : memref<!tpu.dma_semaphore, #tpu.memory_space<semaphore_mem>>)
        %dma_wait3A_954 = arith.constant 0 : i32
        %dma_wait3A_955 = tpu.memref_slice %arg5[%run_scoped3A_945, %dma_wait3A_954] : memref<8x2048xi32, #tpu.memory_space<hbm>> -> memref<1x2048xi32, #tpu.memory_space<hbm>>
        %dma_wait3A_956 = tpu.memref_squeeze %dma_wait3A_955 : memref<1x2048xi32, #tpu.memory_space<hbm>> -> memref<2048xi32, #tpu.memory_space<hbm>>
        %dma_wait3A_957 = arith.constant 0 : i32
        %dma_wait3A_958 = tpu.memref_slice %arg5[%run_scoped3A_945, %dma_wait3A_957] : memref<8x2048xi32, #tpu.memory_space<hbm>> -> memref<1x2048xi32, #tpu.memory_space<hbm>>
        %dma_wait3A_959 = tpu.memref_squeeze %dma_wait3A_958 : memref<1x2048xi32, #tpu.memory_space<hbm>> -> memref<2048xi32, #tpu.memory_space<hbm>>
        tpu.wait_dma2 semaphore(%run_scoped3A_947 : memref<!tpu.dma_semaphore, #tpu.memory_space<semaphore_mem>>) src(%arg6 : memref<2048xi32, #tpu.memory_space<vmem>>) dst(%dma_wait3A_959 : memref<2048xi32, #tpu.memory_space<hbm>>)
        tpu.yield
      }) : () -> ()
      %run_scoped3A_946 = arith.constant 7 : i32
      "tpu.region"() ({
        %run_scoped3A_947 = tpu.sem_alloc : memref<!tpu.dma_semaphore, #tpu.memory_space<semaphore_mem>>
        %dma_start3A_948 = arith.constant 0 : i32
        %dma_start3A_949 = tpu.memref_slice %arg5[%run_scoped3A_946, %dma_start3A_948] : memref<8x2048xi32, #tpu.memory_space<hbm>> -> memref<1x2048xi32, #tpu.memory_space<hbm>>
        %dma_start3A_950 = tpu.memref_squeeze %dma_start3A_949 : memref<1x2048xi32, #tpu.memory_space<hbm>> -> memref<2048xi32, #tpu.memory_space<hbm>>
        %dma_start3A_951 = arith.constant 0 : i32
        %dma_start3A_952 = tpu.memref_slice %arg5[%run_scoped3A_946, %dma_start3A_951] : memref<8x2048xi32, #tpu.memory_space<hbm>> -> memref<1x2048xi32, #tpu.memory_space<hbm>>
        %dma_start3A_953 = tpu.memref_squeeze %dma_start3A_952 : memref<1x2048xi32, #tpu.memory_space<hbm>> -> memref<2048xi32, #tpu.memory_space<hbm>>
        tpu.enqueue_dma source(%arg6 : memref<2048xi32, #tpu.memory_space<vmem>>) target(%dma_start3A_953 : memref<2048xi32, #tpu.memory_space<hbm>>) target_semaphore(%run_scoped3A_947 : memref<!tpu.dma_semaphore, #tpu.memory_space<semaphore_mem>>)
        %dma_wait3A_954 = arith.constant 0 : i32
        %dma_wait3A_955 = tpu.memref_slice %arg5[%run_scoped3A_946, %dma_wait3A_954] : memref<8x2048xi32, #tpu.memory_space<hbm>> -> memref<1x2048xi32, #tpu.memory_space<hbm>>
        %dma_wait3A_956 = tpu.memref_squeeze %dma_wait3A_955 : memref<1x2048xi32, #tpu.memory_space<hbm>> -> memref<2048xi32, #tpu.memory_space<hbm>>
        %dma_wait3A_957 = arith.constant 0 : i32
        %dma_wait3A_958 = tpu.memref_slice %arg5[%run_scoped3A_946, %dma_wait3A_957] : memref<8x2048xi32, #tpu.memory_space<hbm>> -> memref<1x2048xi32, #tpu.memory_space<hbm>>
        %dma_wait3A_959 = tpu.memref_squeeze %dma_wait3A_958 : memref<1x2048xi32, #tpu.memory_space<hbm>> -> memref<2048xi32, #tpu.memory_space<hbm>>
        tpu.wait_dma2 semaphore(%run_scoped3A_947 : memref<!tpu.dma_semaphore, #tpu.memory_space<semaphore_mem>>) src(%arg6 : memref<2048xi32, #tpu.memory_space<vmem>>) dst(%dma_wait3A_959 : memref<2048xi32, #tpu.memory_space<hbm>>)
        tpu.yield
      }) : () -> ()
    } else {
    }
    %dma_start3A = arith.constant 0 : i32
    %dma_start3A_37 = arith.constant 0 : i32
    %dma_start3A_38 = tpu.memref_slice %arg8[%dma_start3A_37] : memref<3x!tpu.dma_semaphore, #tpu.memory_space<semaphore_mem>> -> memref<1x!tpu.dma_semaphore, #tpu.memory_space<semaphore_mem>>
    %dma_start3A_39 = tpu.memref_squeeze %dma_start3A_38 : memref<1x!tpu.dma_semaphore, #tpu.memory_space<semaphore_mem>> -> memref<!tpu.dma_semaphore, #tpu.memory_space<semaphore_mem>>
    %dma_start3A_40 = arith.constant 0 : i32
    %dma_start3A_41 = arith.constant 0 : i32
    %dma_start3A_42 = tpu.memref_slice %arg7[%arg1, %dma_start3A, %dma_start3A_40, %dma_start3A_41] : memref<16x3x256x128xf32, #tpu.memory_space<vmem_shared>> -> memref<1x1x256x128xf32, #tpu.memory_space<vmem_shared>>
    %dma_start3A_43 = tpu.memref_squeeze %dma_start3A_42 : memref<1x1x256x128xf32, #tpu.memory_space<vmem_shared>> -> memref<256x128xf32, #tpu.memory_space<vmem_shared>>
    %dma_start3A_44 = arith.constant 0 : i32
    %dma_start3A_45 = tpu.memref_slice %arg3[%add3A_4, %dma_start3A_44] : memref<131072x128xf32, #tpu.memory_space<hbm>> -> memref<256x128xf32, #tpu.memory_space<hbm>>
    tpu.enqueue_dma source(%dma_start3A_45 : memref<256x128xf32, #tpu.memory_space<hbm>>) target(%dma_start3A_43 : memref<256x128xf32, #tpu.memory_space<vmem_shared>>) target_semaphore(%dma_start3A_39 : memref<!tpu.dma_semaphore, #tpu.memory_space<semaphore_mem>>)
    %dma_start3A_46 = arith.constant 1 : i32
    %dma_start3A_47 = arith.constant 1 : i32
    %dma_start3A_48 = tpu.memref_slice %arg8[%dma_start3A_47] : memref<3x!tpu.dma_semaphore, #tpu.memory_space<semaphore_mem>> -> memref<1x!tpu.dma_semaphore, #tpu.memory_space<semaphore_mem>>
    %dma_start3A_49 = tpu.memref_squeeze %dma_start3A_48 : memref<1x!tpu.dma_semaphore, #tpu.memory_space<semaphore_mem>> -> memref<!tpu.dma_semaphore, #tpu.memory_space<semaphore_mem>>
    %dma_start3A_50 = arith.constant 0 : i32
    %dma_start3A_51 = arith.constant 0 : i32
    %dma_start3A_52 = tpu.memref_slice %arg7[%arg1, %dma_start3A_46, %dma_start3A_50, %dma_start3A_51] : memref<16x3x256x128xf32, #tpu.memory_space<vmem_shared>> -> memref<1x1x256x128xf32, #tpu.memory_space<vmem_shared>>
    %dma_start3A_53 = tpu.memref_squeeze %dma_start3A_52 : memref<1x1x256x128xf32, #tpu.memory_space<vmem_shared>> -> memref<256x128xf32, #tpu.memory_space<vmem_shared>>
    %dma_start3A_54 = arith.constant 0 : i32
    %dma_start3A_55 = tpu.memref_slice %arg3[%add3A_6, %dma_start3A_54] : memref<131072x128xf32, #tpu.memory_space<hbm>> -> memref<256x128xf32, #tpu.memory_space<hbm>>
    tpu.enqueue_dma source(%dma_start3A_55 : memref<256x128xf32, #tpu.memory_space<hbm>>) target(%dma_start3A_53 : memref<256x128xf32, #tpu.memory_space<vmem_shared>>) target_semaphore(%dma_start3A_49 : memref<!tpu.dma_semaphore, #tpu.memory_space<semaphore_mem>>)
    %dma_wait3A = arith.constant 0 : i32
    %dma_wait3A_56 = arith.constant 0 : i32
    %dma_wait3A_57 = tpu.memref_slice %arg8[%dma_wait3A_56] : memref<3x!tpu.dma_semaphore, #tpu.memory_space<semaphore_mem>> -> memref<1x!tpu.dma_semaphore, #tpu.memory_space<semaphore_mem>>
    %dma_wait3A_58 = tpu.memref_squeeze %dma_wait3A_57 : memref<1x!tpu.dma_semaphore, #tpu.memory_space<semaphore_mem>> -> memref<!tpu.dma_semaphore, #tpu.memory_space<semaphore_mem>>
    %dma_wait3A_59 = arith.constant 0 : i32
    %dma_wait3A_60 = arith.constant 0 : i32
    %dma_wait3A_61 = tpu.memref_slice %arg7[%arg1, %dma_wait3A, %dma_wait3A_59, %dma_wait3A_60] : memref<16x3x256x128xf32, #tpu.memory_space<vmem_shared>> -> memref<1x1x256x128xf32, #tpu.memory_space<vmem_shared>>
    %dma_wait3A_62 = tpu.memref_squeeze %dma_wait3A_61 : memref<1x1x256x128xf32, #tpu.memory_space<vmem_shared>> -> memref<256x128xf32, #tpu.memory_space<vmem_shared>>
    %dma_wait3A_63 = arith.constant 0 : i32
    %dma_wait3A_64 = tpu.memref_slice %arg3[%add3A_4, %dma_wait3A_63] : memref<131072x128xf32, #tpu.memory_space<hbm>> -> memref<256x128xf32, #tpu.memory_space<hbm>>
    tpu.wait_dma2 semaphore(%dma_wait3A_58 : memref<!tpu.dma_semaphore, #tpu.memory_space<semaphore_mem>>) src(%dma_wait3A_64 : memref<256x128xf32, #tpu.memory_space<hbm>>) dst(%dma_wait3A_62 : memref<256x128xf32, #tpu.memory_space<vmem_shared>>)
    %dma_start3A_65 = arith.constant 0 : i32
    %dma_start3A_66 = arith.constant 0 : i32
    %dma_start3A_67 = tpu.memref_slice %arg9[%dma_start3A_66] : memref<3x!tpu.dma_semaphore, #tpu.memory_space<semaphore_mem>> -> memref<1x!tpu.dma_semaphore, #tpu.memory_space<semaphore_mem>>
    %dma_start3A_68 = tpu.memref_squeeze %dma_start3A_67 : memref<1x!tpu.dma_semaphore, #tpu.memory_space<semaphore_mem>> -> memref<!tpu.dma_semaphore, #tpu.memory_space<semaphore_mem>>
    %dma_start3A_69 = arith.constant 0 : i32
    %dma_start3A_70 = tpu.memref_slice %arg4[%add3A_4, %dma_start3A_69] : memref<131072x128xf32, #tpu.memory_space<hbm>> -> memref<256x128xf32, #tpu.memory_space<hbm>>
    %dma_start3A_71 = arith.constant 0 : i32
    %dma_start3A_72 = arith.constant 0 : i32
    %dma_start3A_73 = tpu.memref_slice %arg7[%arg1, %dma_start3A_65, %dma_start3A_71, %dma_start3A_72] : memref<16x3x256x128xf32, #tpu.memory_space<vmem_shared>> -> memref<1x1x256x128xf32, #tpu.memory_space<vmem_shared>>
    %dma_start3A_74 = tpu.memref_squeeze %dma_start3A_73 : memref<1x1x256x128xf32, #tpu.memory_space<vmem_shared>> -> memref<256x128xf32, #tpu.memory_space<vmem_shared>>
    tpu.enqueue_dma source(%dma_start3A_74 : memref<256x128xf32, #tpu.memory_space<vmem_shared>>) target(%dma_start3A_70 : memref<256x128xf32, #tpu.memory_space<hbm>>) target_semaphore(%dma_start3A_68 : memref<!tpu.dma_semaphore, #tpu.memory_space<semaphore_mem>>)
    %dma_start3A_75 = arith.constant 2 : i32
    %dma_start3A_76 = arith.constant 2 : i32
    %dma_start3A_77 = tpu.memref_slice %arg8[%dma_start3A_76] : memref<3x!tpu.dma_semaphore, #tpu.memory_space<semaphore_mem>> -> memref<1x!tpu.dma_semaphore, #tpu.memory_space<semaphore_mem>>
    %dma_start3A_78 = tpu.memref_squeeze %dma_start3A_77 : memref<1x!tpu.dma_semaphore, #tpu.memory_space<semaphore_mem>> -> memref<!tpu.dma_semaphore, #tpu.memory_space<semaphore_mem>>
    %dma_start3A_79 = arith.constant 0 : i32
    %dma_start3A_80 = arith.constant 0 : i32
    %dma_start3A_81 = tpu.memref_slice %arg7[%arg1, %dma_start3A_75, %dma_start3A_79, %dma_start3A_80] : memref<16x3x256x128xf32, #tpu.memory_space<vmem_shared>> -> memref<1x1x256x128xf32, #tpu.memory_space<vmem_shared>>
    %dma_start3A_82 = tpu.memref_squeeze %dma_start3A_81 : memref<1x1x256x128xf32, #tpu.memory_space<vmem_shared>> -> memref<256x128xf32, #tpu.memory_space<vmem_shared>>
    %dma_start3A_83 = arith.constant 0 : i32
    %dma_start3A_84 = tpu.memref_slice %arg3[%add3A_8, %dma_start3A_83] : memref<131072x128xf32, #tpu.memory_space<hbm>> -> memref<256x128xf32, #tpu.memory_space<hbm>>
    tpu.enqueue_dma source(%dma_start3A_84 : memref<256x128xf32, #tpu.memory_space<hbm>>) target(%dma_start3A_82 : memref<256x128xf32, #tpu.memory_space<vmem_shared>>) target_semaphore(%dma_start3A_78 : memref<!tpu.dma_semaphore, #tpu.memory_space<semaphore_mem>>)
    %dma_wait3A_85 = arith.constant 1 : i32
    %dma_wait3A_86 = arith.constant 1 : i32
    %dma_wait3A_87 = tpu.memref_slice %arg8[%dma_wait3A_86] : memref<3x!tpu.dma_semaphore, #tpu.memory_space<semaphore_mem>> -> memref<1x!tpu.dma_semaphore, #tpu.memory_space<semaphore_mem>>
    %dma_wait3A_88 = tpu.memref_squeeze %dma_wait3A_87 : memref<1x!tpu.dma_semaphore, #tpu.memory_space<semaphore_mem>> -> memref<!tpu.dma_semaphore, #tpu.memory_space<semaphore_mem>>
    %dma_wait3A_89 = arith.constant 0 : i32
    %dma_wait3A_90 = arith.constant 0 : i32
    %dma_wait3A_91 = tpu.memref_slice %arg7[%arg1, %dma_wait3A_85, %dma_wait3A_89, %dma_wait3A_90] : memref<16x3x256x128xf32, #tpu.memory_space<vmem_shared>> -> memref<1x1x256x128xf32, #tpu.memory_space<vmem_shared>>
    %dma_wait3A_92 = tpu.memref_squeeze %dma_wait3A_91 : memref<1x1x256x128xf32, #tpu.memory_space<vmem_shared>> -> memref<256x128xf32, #tpu.memory_space<vmem_shared>>
    %dma_wait3A_93 = arith.constant 0 : i32
    %dma_wait3A_94 = tpu.memref_slice %arg3[%add3A_6, %dma_wait3A_93] : memref<131072x128xf32, #tpu.memory_space<hbm>> -> memref<256x128xf32, #tpu.memory_space<hbm>>
    tpu.wait_dma2 semaphore(%dma_wait3A_88 : memref<!tpu.dma_semaphore, #tpu.memory_space<semaphore_mem>>) src(%dma_wait3A_94 : memref<256x128xf32, #tpu.memory_space<hbm>>) dst(%dma_wait3A_92 : memref<256x128xf32, #tpu.memory_space<vmem_shared>>)
    %dma_start3A_95 = arith.constant 1 : i32
    %dma_start3A_96 = arith.constant 1 : i32
    %dma_start3A_97 = tpu.memref_slice %arg9[%dma_start3A_96] : memref<3x!tpu.dma_semaphore, #tpu.memory_space<semaphore_mem>> -> memref<1x!tpu.dma_semaphore, #tpu.memory_space<semaphore_mem>>
    %dma_start3A_98 = tpu.memref_squeeze %dma_start3A_97 : memref<1x!tpu.dma_semaphore, #tpu.memory_space<semaphore_mem>> -> memref<!tpu.dma_semaphore, #tpu.memory_space<semaphore_mem>>
    %dma_start3A_99 = arith.constant 0 : i32
    %dma_start3A_100 = tpu.memref_slice %arg4[%add3A_6, %dma_start3A_99] : memref<131072x128xf32, #tpu.memory_space<hbm>> -> memref<256x128xf32, #tpu.memory_space<hbm>>
    %dma_start3A_101 = arith.constant 0 : i32
    %dma_start3A_102 = arith.constant 0 : i32
    %dma_start3A_103 = tpu.memref_slice %arg7[%arg1, %dma_start3A_95, %dma_start3A_101, %dma_start3A_102] : memref<16x3x256x128xf32, #tpu.memory_space<vmem_shared>> -> memref<1x1x256x128xf32, #tpu.memory_space<vmem_shared>>
    %dma_start3A_104 = tpu.memref_squeeze %dma_start3A_103 : memref<1x1x256x128xf32, #tpu.memory_space<vmem_shared>> -> memref<256x128xf32, #tpu.memory_space<vmem_shared>>
    tpu.enqueue_dma source(%dma_start3A_104 : memref<256x128xf32, #tpu.memory_space<vmem_shared>>) target(%dma_start3A_100 : memref<256x128xf32, #tpu.memory_space<hbm>>) target_semaphore(%dma_start3A_98 : memref<!tpu.dma_semaphore, #tpu.memory_space<semaphore_mem>>)
    %dma_wait3A_105 = arith.constant 0 : i32
    %dma_wait3A_106 = arith.constant 0 : i32
    %dma_wait3A_107 = tpu.memref_slice %arg9[%dma_wait3A_106] : memref<3x!tpu.dma_semaphore, #tpu.memory_space<semaphore_mem>> -> memref<1x!tpu.dma_semaphore, #tpu.memory_space<semaphore_mem>>
    %dma_wait3A_108 = tpu.memref_squeeze %dma_wait3A_107 : memref<1x!tpu.dma_semaphore, #tpu.memory_space<semaphore_mem>> -> memref<!tpu.dma_semaphore, #tpu.memory_space<semaphore_mem>>
    %dma_wait3A_109 = arith.constant 0 : i32
    %dma_wait3A_110 = tpu.memref_slice %arg4[%add3A_4, %dma_wait3A_109] : memref<131072x128xf32, #tpu.memory_space<hbm>> -> memref<256x128xf32, #tpu.memory_space<hbm>>
    %dma_wait3A_111 = arith.constant 0 : i32
    %dma_wait3A_112 = arith.constant 0 : i32
    %dma_wait3A_113 = tpu.memref_slice %arg7[%arg1, %dma_wait3A_105, %dma_wait3A_111, %dma_wait3A_112] : memref<16x3x256x128xf32, #tpu.memory_space<vmem_shared>> -> memref<1x1x256x128xf32, #tpu.memory_space<vmem_shared>>
    %dma_wait3A_114 = tpu.memref_squeeze %dma_wait3A_113 : memref<1x1x256x128xf32, #tpu.memory_space<vmem_shared>> -> memref<256x128xf32, #tpu.memory_space<vmem_shared>>
    tpu.wait_dma2 semaphore(%dma_wait3A_108 : memref<!tpu.dma_semaphore, #tpu.memory_space<semaphore_mem>>) src(%dma_wait3A_114 : memref<256x128xf32, #tpu.memory_space<vmem_shared>>) dst(%dma_wait3A_110 : memref<256x128xf32, #tpu.memory_space<hbm>>)
    %dma_start3A_115 = arith.constant 0 : i32
    %dma_start3A_116 = arith.constant 0 : i32
    %dma_start3A_117 = tpu.memref_slice %arg8[%dma_start3A_116] : memref<3x!tpu.dma_semaphore, #tpu.memory_space<semaphore_mem>> -> memref<1x!tpu.dma_semaphore, #tpu.memory_space<semaphore_mem>>
    %dma_start3A_118 = tpu.memref_squeeze %dma_start3A_117 : memref<1x!tpu.dma_semaphore, #tpu.memory_space<semaphore_mem>> -> memref<!tpu.dma_semaphore, #tpu.memory_space<semaphore_mem>>
    %dma_start3A_119 = arith.constant 0 : i32
    %dma_start3A_120 = arith.constant 0 : i32
    %dma_start3A_121 = tpu.memref_slice %arg7[%arg1, %dma_start3A_115, %dma_start3A_119, %dma_start3A_120] : memref<16x3x256x128xf32, #tpu.memory_space<vmem_shared>> -> memref<1x1x256x128xf32, #tpu.memory_space<vmem_shared>>
    %dma_start3A_122 = tpu.memref_squeeze %dma_start3A_121 : memref<1x1x256x128xf32, #tpu.memory_space<vmem_shared>> -> memref<256x128xf32, #tpu.memory_space<vmem_shared>>
    %dma_start3A_123 = arith.constant 0 : i32
    %dma_start3A_124 = tpu.memref_slice %arg3[%add3A_10, %dma_start3A_123] : memref<131072x128xf32, #tpu.memory_space<hbm>> -> memref<256x128xf32, #tpu.memory_space<hbm>>
    tpu.enqueue_dma source(%dma_start3A_124 : memref<256x128xf32, #tpu.memory_space<hbm>>) target(%dma_start3A_122 : memref<256x128xf32, #tpu.memory_space<vmem_shared>>) target_semaphore(%dma_start3A_118 : memref<!tpu.dma_semaphore, #tpu.memory_space<semaphore_mem>>)
    %dma_wait3A_125 = arith.constant 2 : i32
    %dma_wait3A_126 = arith.constant 2 : i32
    %dma_wait3A_127 = tpu.memref_slice %arg8[%dma_wait3A_126] : memref<3x!tpu.dma_semaphore, #tpu.memory_space<semaphore_mem>> -> memref<1x!tpu.dma_semaphore, #tpu.memory_space<semaphore_mem>>
    %dma_wait3A_128 = tpu.memref_squeeze %dma_wait3A_127 : memref<1x!tpu.dma_semaphore, #tpu.memory_space<semaphore_mem>> -> memref<!tpu.dma_semaphore, #tpu.memory_space<semaphore_mem>>
    %dma_wait3A_129 = arith.constant 0 : i32
    %dma_wait3A_130 = arith.constant 0 : i32
    %dma_wait3A_131 = tpu.memref_slice %arg7[%arg1, %dma_wait3A_125, %dma_wait3A_129, %dma_wait3A_130] : memref<16x3x256x128xf32, #tpu.memory_space<vmem_shared>> -> memref<1x1x256x128xf32, #tpu.memory_space<vmem_shared>>
    %dma_wait3A_132 = tpu.memref_squeeze %dma_wait3A_131 : memref<1x1x256x128xf32, #tpu.memory_space<vmem_shared>> -> memref<256x128xf32, #tpu.memory_space<vmem_shared>>
    %dma_wait3A_133 = arith.constant 0 : i32
    %dma_wait3A_134 = tpu.memref_slice %arg3[%add3A_8, %dma_wait3A_133] : memref<131072x128xf32, #tpu.memory_space<hbm>> -> memref<256x128xf32, #tpu.memory_space<hbm>>
    tpu.wait_dma2 semaphore(%dma_wait3A_128 : memref<!tpu.dma_semaphore, #tpu.memory_space<semaphore_mem>>) src(%dma_wait3A_134 : memref<256x128xf32, #tpu.memory_space<hbm>>) dst(%dma_wait3A_132 : memref<256x128xf32, #tpu.memory_space<vmem_shared>>)
    %dma_start3A_135 = arith.constant 2 : i32
    %dma_start3A_136 = arith.constant 2 : i32
    %dma_start3A_137 = tpu.memref_slice %arg9[%dma_start3A_136] : memref<3x!tpu.dma_semaphore, #tpu.memory_space<semaphore_mem>> -> memref<1x!tpu.dma_semaphore, #tpu.memory_space<semaphore_mem>>
    %dma_start3A_138 = tpu.memref_squeeze %dma_start3A_137 : memref<1x!tpu.dma_semaphore, #tpu.memory_space<semaphore_mem>> -> memref<!tpu.dma_semaphore, #tpu.memory_space<semaphore_mem>>
    %dma_start3A_139 = arith.constant 0 : i32
    %dma_start3A_140 = tpu.memref_slice %arg4[%add3A_8, %dma_start3A_139] : memref<131072x128xf32, #tpu.memory_space<hbm>> -> memref<256x128xf32, #tpu.memory_space<hbm>>
    %dma_start3A_141 = arith.constant 0 : i32
    %dma_start3A_142 = arith.constant 0 : i32
    %dma_start3A_143 = tpu.memref_slice %arg7[%arg1, %dma_start3A_135, %dma_start3A_141, %dma_start3A_142] : memref<16x3x256x128xf32, #tpu.memory_space<vmem_shared>> -> memref<1x1x256x128xf32, #tpu.memory_space<vmem_shared>>
    %dma_start3A_144 = tpu.memref_squeeze %dma_start3A_143 : memref<1x1x256x128xf32, #tpu.memory_space<vmem_shared>> -> memref<256x128xf32, #tpu.memory_space<vmem_shared>>
    tpu.enqueue_dma source(%dma_start3A_144 : memref<256x128xf32, #tpu.memory_space<vmem_shared>>) target(%dma_start3A_140 : memref<256x128xf32, #tpu.memory_space<hbm>>) target_semaphore(%dma_start3A_138 : memref<!tpu.dma_semaphore, #tpu.memory_space<semaphore_mem>>)
    %dma_wait3A_145 = arith.constant 1 : i32
    %dma_wait3A_146 = arith.constant 1 : i32
    %dma_wait3A_147 = tpu.memref_slice %arg9[%dma_wait3A_146] : memref<3x!tpu.dma_semaphore, #tpu.memory_space<semaphore_mem>> -> memref<1x!tpu.dma_semaphore, #tpu.memory_space<semaphore_mem>>
    %dma_wait3A_148 = tpu.memref_squeeze %dma_wait3A_147 : memref<1x!tpu.dma_semaphore, #tpu.memory_space<semaphore_mem>> -> memref<!tpu.dma_semaphore, #tpu.memory_space<semaphore_mem>>
    %dma_wait3A_149 = arith.constant 0 : i32
    %dma_wait3A_150 = tpu.memref_slice %arg4[%add3A_6, %dma_wait3A_149] : memref<131072x128xf32, #tpu.memory_space<hbm>> -> memref<256x128xf32, #tpu.memory_space<hbm>>
    %dma_wait3A_151 = arith.constant 0 : i32
    %dma_wait3A_152 = arith.constant 0 : i32
    %dma_wait3A_153 = tpu.memref_slice %arg7[%arg1, %dma_wait3A_145, %dma_wait3A_151, %dma_wait3A_152] : memref<16x3x256x128xf32, #tpu.memory_space<vmem_shared>> -> memref<1x1x256x128xf32, #tpu.memory_space<vmem_shared>>
    %dma_wait3A_154 = tpu.memref_squeeze %dma_wait3A_153 : memref<1x1x256x128xf32, #tpu.memory_space<vmem_shared>> -> memref<256x128xf32, #tpu.memory_space<vmem_shared>>
    tpu.wait_dma2 semaphore(%dma_wait3A_148 : memref<!tpu.dma_semaphore, #tpu.memory_space<semaphore_mem>>) src(%dma_wait3A_154 : memref<256x128xf32, #tpu.memory_space<vmem_shared>>) dst(%dma_wait3A_150 : memref<256x128xf32, #tpu.memory_space<hbm>>)
    %dma_start3A_155 = arith.constant 1 : i32
    %dma_start3A_156 = arith.constant 1 : i32
    %dma_start3A_157 = tpu.memref_slice %arg8[%dma_start3A_156] : memref<3x!tpu.dma_semaphore, #tpu.memory_space<semaphore_mem>> -> memref<1x!tpu.dma_semaphore, #tpu.memory_space<semaphore_mem>>
    %dma_start3A_158 = tpu.memref_squeeze %dma_start3A_157 : memref<1x!tpu.dma_semaphore, #tpu.memory_space<semaphore_mem>> -> memref<!tpu.dma_semaphore, #tpu.memory_space<semaphore_mem>>
    %dma_start3A_159 = arith.constant 0 : i32
    %dma_start3A_160 = arith.constant 0 : i32
    %dma_start3A_161 = tpu.memref_slice %arg7[%arg1, %dma_start3A_155, %dma_start3A_159, %dma_start3A_160] : memref<16x3x256x128xf32, #tpu.memory_space<vmem_shared>> -> memref<1x1x256x128xf32, #tpu.memory_space<vmem_shared>>
    %dma_start3A_162 = tpu.memref_squeeze %dma_start3A_161 : memref<1x1x256x128xf32, #tpu.memory_space<vmem_shared>> -> memref<256x128xf32, #tpu.memory_space<vmem_shared>>
    %dma_start3A_163 = arith.constant 0 : i32
    %dma_start3A_164 = tpu.memref_slice %arg3[%add3A_12, %dma_start3A_163] : memref<131072x128xf32, #tpu.memory_space<hbm>> -> memref<256x128xf32, #tpu.memory_space<hbm>>
    tpu.enqueue_dma source(%dma_start3A_164 : memref<256x128xf32, #tpu.memory_space<hbm>>) target(%dma_start3A_162 : memref<256x128xf32, #tpu.memory_space<vmem_shared>>) target_semaphore(%dma_start3A_158 : memref<!tpu.dma_semaphore, #tpu.memory_space<semaphore_mem>>)
    %dma_wait3A_165 = arith.constant 0 : i32
    %dma_wait3A_166 = arith.constant 0 : i32
    %dma_wait3A_167 = tpu.memref_slice %arg8[%dma_wait3A_166] : memref<3x!tpu.dma_semaphore, #tpu.memory_space<semaphore_mem>> -> memref<1x!tpu.dma_semaphore, #tpu.memory_space<semaphore_mem>>
    %dma_wait3A_168 = tpu.memref_squeeze %dma_wait3A_167 : memref<1x!tpu.dma_semaphore, #tpu.memory_space<semaphore_mem>> -> memref<!tpu.dma_semaphore, #tpu.memory_space<semaphore_mem>>
    %dma_wait3A_169 = arith.constant 0 : i32
    %dma_wait3A_170 = arith.constant 0 : i32
    %dma_wait3A_171 = tpu.memref_slice %arg7[%arg1, %dma_wait3A_165, %dma_wait3A_169, %dma_wait3A_170] : memref<16x3x256x128xf32, #tpu.memory_space<vmem_shared>> -> memref<1x1x256x128xf32, #tpu.memory_space<vmem_shared>>
    %dma_wait3A_172 = tpu.memref_squeeze %dma_wait3A_171 : memref<1x1x256x128xf32, #tpu.memory_space<vmem_shared>> -> memref<256x128xf32, #tpu.memory_space<vmem_shared>>
    %dma_wait3A_173 = arith.constant 0 : i32
    %dma_wait3A_174 = tpu.memref_slice %arg3[%add3A_10, %dma_wait3A_173] : memref<131072x128xf32, #tpu.memory_space<hbm>> -> memref<256x128xf32, #tpu.memory_space<hbm>>
    tpu.wait_dma2 semaphore(%dma_wait3A_168 : memref<!tpu.dma_semaphore, #tpu.memory_space<semaphore_mem>>) src(%dma_wait3A_174 : memref<256x128xf32, #tpu.memory_space<hbm>>) dst(%dma_wait3A_172 : memref<256x128xf32, #tpu.memory_space<vmem_shared>>)
    %dma_start3A_175 = arith.constant 0 : i32
    %dma_start3A_176 = arith.constant 0 : i32
    %dma_start3A_177 = tpu.memref_slice %arg9[%dma_start3A_176] : memref<3x!tpu.dma_semaphore, #tpu.memory_space<semaphore_mem>> -> memref<1x!tpu.dma_semaphore, #tpu.memory_space<semaphore_mem>>
    %dma_start3A_178 = tpu.memref_squeeze %dma_start3A_177 : memref<1x!tpu.dma_semaphore, #tpu.memory_space<semaphore_mem>> -> memref<!tpu.dma_semaphore, #tpu.memory_space<semaphore_mem>>
    %dma_start3A_179 = arith.constant 0 : i32
    %dma_start3A_180 = tpu.memref_slice %arg4[%add3A_10, %dma_start3A_179] : memref<131072x128xf32, #tpu.memory_space<hbm>> -> memref<256x128xf32, #tpu.memory_space<hbm>>
    %dma_start3A_181 = arith.constant 0 : i32
    %dma_start3A_182 = arith.constant 0 : i32
    %dma_start3A_183 = tpu.memref_slice %arg7[%arg1, %dma_start3A_175, %dma_start3A_181, %dma_start3A_182] : memref<16x3x256x128xf32, #tpu.memory_space<vmem_shared>> -> memref<1x1x256x128xf32, #tpu.memory_space<vmem_shared>>
    %dma_start3A_184 = tpu.memref_squeeze %dma_start3A_183 : memref<1x1x256x128xf32, #tpu.memory_space<vmem_shared>> -> memref<256x128xf32, #tpu.memory_space<vmem_shared>>
    tpu.enqueue_dma source(%dma_start3A_184 : memref<256x128xf32, #tpu.memory_space<vmem_shared>>) target(%dma_start3A_180 : memref<256x128xf32, #tpu.memory_space<hbm>>) target_semaphore(%dma_start3A_178 : memref<!tpu.dma_semaphore, #tpu.memory_space<semaphore_mem>>)
    %dma_wait3A_185 = arith.constant 2 : i32
    %dma_wait3A_186 = arith.constant 2 : i32
    %dma_wait3A_187 = tpu.memref_slice %arg9[%dma_wait3A_186] : memref<3x!tpu.dma_semaphore, #tpu.memory_space<semaphore_mem>> -> memref<1x!tpu.dma_semaphore, #tpu.memory_space<semaphore_mem>>
    %dma_wait3A_188 = tpu.memref_squeeze %dma_wait3A_187 : memref<1x!tpu.dma_semaphore, #tpu.memory_space<semaphore_mem>> -> memref<!tpu.dma_semaphore, #tpu.memory_space<semaphore_mem>>
    %dma_wait3A_189 = arith.constant 0 : i32
    %dma_wait3A_190 = tpu.memref_slice %arg4[%add3A_8, %dma_wait3A_189] : memref<131072x128xf32, #tpu.memory_space<hbm>> -> memref<256x128xf32, #tpu.memory_space<hbm>>
    %dma_wait3A_191 = arith.constant 0 : i32
    %dma_wait3A_192 = arith.constant 0 : i32
    %dma_wait3A_193 = tpu.memref_slice %arg7[%arg1, %dma_wait3A_185, %dma_wait3A_191, %dma_wait3A_192] : memref<16x3x256x128xf32, #tpu.memory_space<vmem_shared>> -> memref<1x1x256x128xf32, #tpu.memory_space<vmem_shared>>
    %dma_wait3A_194 = tpu.memref_squeeze %dma_wait3A_193 : memref<1x1x256x128xf32, #tpu.memory_space<vmem_shared>> -> memref<256x128xf32, #tpu.memory_space<vmem_shared>>
    tpu.wait_dma2 semaphore(%dma_wait3A_188 : memref<!tpu.dma_semaphore, #tpu.memory_space<semaphore_mem>>) src(%dma_wait3A_194 : memref<256x128xf32, #tpu.memory_space<vmem_shared>>) dst(%dma_wait3A_190 : memref<256x128xf32, #tpu.memory_space<hbm>>)
    %dma_start3A_195 = arith.constant 2 : i32
    %dma_start3A_196 = arith.constant 2 : i32
    %dma_start3A_197 = tpu.memref_slice %arg8[%dma_start3A_196] : memref<3x!tpu.dma_semaphore, #tpu.memory_space<semaphore_mem>> -> memref<1x!tpu.dma_semaphore, #tpu.memory_space<semaphore_mem>>
    %dma_start3A_198 = tpu.memref_squeeze %dma_start3A_197 : memref<1x!tpu.dma_semaphore, #tpu.memory_space<semaphore_mem>> -> memref<!tpu.dma_semaphore, #tpu.memory_space<semaphore_mem>>
    %dma_start3A_199 = arith.constant 0 : i32
    %dma_start3A_200 = arith.constant 0 : i32
    %dma_start3A_201 = tpu.memref_slice %arg7[%arg1, %dma_start3A_195, %dma_start3A_199, %dma_start3A_200] : memref<16x3x256x128xf32, #tpu.memory_space<vmem_shared>> -> memref<1x1x256x128xf32, #tpu.memory_space<vmem_shared>>
    %dma_start3A_202 = tpu.memref_squeeze %dma_start3A_201 : memref<1x1x256x128xf32, #tpu.memory_space<vmem_shared>> -> memref<256x128xf32, #tpu.memory_space<vmem_shared>>
    %dma_start3A_203 = arith.constant 0 : i32
    %dma_start3A_204 = tpu.memref_slice %arg3[%add3A_14, %dma_start3A_203] : memref<131072x128xf32, #tpu.memory_space<hbm>> -> memref<256x128xf32, #tpu.memory_space<hbm>>
    tpu.enqueue_dma source(%dma_start3A_204 : memref<256x128xf32, #tpu.memory_space<hbm>>) target(%dma_start3A_202 : memref<256x128xf32, #tpu.memory_space<vmem_shared>>) target_semaphore(%dma_start3A_198 : memref<!tpu.dma_semaphore, #tpu.memory_space<semaphore_mem>>)
    %dma_wait3A_205 = arith.constant 1 : i32
    %dma_wait3A_206 = arith.constant 1 : i32
    %dma_wait3A_207 = tpu.memref_slice %arg8[%dma_wait3A_206] : memref<3x!tpu.dma_semaphore, #tpu.memory_space<semaphore_mem>> -> memref<1x!tpu.dma_semaphore, #tpu.memory_space<semaphore_mem>>
    %dma_wait3A_208 = tpu.memref_squeeze %dma_wait3A_207 : memref<1x!tpu.dma_semaphore, #tpu.memory_space<semaphore_mem>> -> memref<!tpu.dma_semaphore, #tpu.memory_space<semaphore_mem>>
    %dma_wait3A_209 = arith.constant 0 : i32
    %dma_wait3A_210 = arith.constant 0 : i32
    %dma_wait3A_211 = tpu.memref_slice %arg7[%arg1, %dma_wait3A_205, %dma_wait3A_209, %dma_wait3A_210] : memref<16x3x256x128xf32, #tpu.memory_space<vmem_shared>> -> memref<1x1x256x128xf32, #tpu.memory_space<vmem_shared>>
    %dma_wait3A_212 = tpu.memref_squeeze %dma_wait3A_211 : memref<1x1x256x128xf32, #tpu.memory_space<vmem_shared>> -> memref<256x128xf32, #tpu.memory_space<vmem_shared>>
    %dma_wait3A_213 = arith.constant 0 : i32
    %dma_wait3A_214 = tpu.memref_slice %arg3[%add3A_12, %dma_wait3A_213] : memref<131072x128xf32, #tpu.memory_space<hbm>> -> memref<256x128xf32, #tpu.memory_space<hbm>>
    tpu.wait_dma2 semaphore(%dma_wait3A_208 : memref<!tpu.dma_semaphore, #tpu.memory_space<semaphore_mem>>) src(%dma_wait3A_214 : memref<256x128xf32, #tpu.memory_space<hbm>>) dst(%dma_wait3A_212 : memref<256x128xf32, #tpu.memory_space<vmem_shared>>)
    %dma_start3A_215 = arith.constant 1 : i32
    %dma_start3A_216 = arith.constant 1 : i32
    %dma_start3A_217 = tpu.memref_slice %arg9[%dma_start3A_216] : memref<3x!tpu.dma_semaphore, #tpu.memory_space<semaphore_mem>> -> memref<1x!tpu.dma_semaphore, #tpu.memory_space<semaphore_mem>>
    %dma_start3A_218 = tpu.memref_squeeze %dma_start3A_217 : memref<1x!tpu.dma_semaphore, #tpu.memory_space<semaphore_mem>> -> memref<!tpu.dma_semaphore, #tpu.memory_space<semaphore_mem>>
    %dma_start3A_219 = arith.constant 0 : i32
    %dma_start3A_220 = tpu.memref_slice %arg4[%add3A_12, %dma_start3A_219] : memref<131072x128xf32, #tpu.memory_space<hbm>> -> memref<256x128xf32, #tpu.memory_space<hbm>>
    %dma_start3A_221 = arith.constant 0 : i32
    %dma_start3A_222 = arith.constant 0 : i32
    %dma_start3A_223 = tpu.memref_slice %arg7[%arg1, %dma_start3A_215, %dma_start3A_221, %dma_start3A_222] : memref<16x3x256x128xf32, #tpu.memory_space<vmem_shared>> -> memref<1x1x256x128xf32, #tpu.memory_space<vmem_shared>>
    %dma_start3A_224 = tpu.memref_squeeze %dma_start3A_223 : memref<1x1x256x128xf32, #tpu.memory_space<vmem_shared>> -> memref<256x128xf32, #tpu.memory_space<vmem_shared>>
    tpu.enqueue_dma source(%dma_start3A_224 : memref<256x128xf32, #tpu.memory_space<vmem_shared>>) target(%dma_start3A_220 : memref<256x128xf32, #tpu.memory_space<hbm>>) target_semaphore(%dma_start3A_218 : memref<!tpu.dma_semaphore, #tpu.memory_space<semaphore_mem>>)
    %dma_wait3A_225 = arith.constant 0 : i32
    %dma_wait3A_226 = arith.constant 0 : i32
    %dma_wait3A_227 = tpu.memref_slice %arg9[%dma_wait3A_226] : memref<3x!tpu.dma_semaphore, #tpu.memory_space<semaphore_mem>> -> memref<1x!tpu.dma_semaphore, #tpu.memory_space<semaphore_mem>>
    %dma_wait3A_228 = tpu.memref_squeeze %dma_wait3A_227 : memref<1x!tpu.dma_semaphore, #tpu.memory_space<semaphore_mem>> -> memref<!tpu.dma_semaphore, #tpu.memory_space<semaphore_mem>>
    %dma_wait3A_229 = arith.constant 0 : i32
    %dma_wait3A_230 = tpu.memref_slice %arg4[%add3A_10, %dma_wait3A_229] : memref<131072x128xf32, #tpu.memory_space<hbm>> -> memref<256x128xf32, #tpu.memory_space<hbm>>
    %dma_wait3A_231 = arith.constant 0 : i32
    %dma_wait3A_232 = arith.constant 0 : i32
    %dma_wait3A_233 = tpu.memref_slice %arg7[%arg1, %dma_wait3A_225, %dma_wait3A_231, %dma_wait3A_232] : memref<16x3x256x128xf32, #tpu.memory_space<vmem_shared>> -> memref<1x1x256x128xf32, #tpu.memory_space<vmem_shared>>
    %dma_wait3A_234 = tpu.memref_squeeze %dma_wait3A_233 : memref<1x1x256x128xf32, #tpu.memory_space<vmem_shared>> -> memref<256x128xf32, #tpu.memory_space<vmem_shared>>
    tpu.wait_dma2 semaphore(%dma_wait3A_228 : memref<!tpu.dma_semaphore, #tpu.memory_space<semaphore_mem>>) src(%dma_wait3A_234 : memref<256x128xf32, #tpu.memory_space<vmem_shared>>) dst(%dma_wait3A_230 : memref<256x128xf32, #tpu.memory_space<hbm>>)
    %dma_start3A_235 = arith.constant 0 : i32
    %dma_start3A_236 = arith.constant 0 : i32
    %dma_start3A_237 = tpu.memref_slice %arg8[%dma_start3A_236] : memref<3x!tpu.dma_semaphore, #tpu.memory_space<semaphore_mem>> -> memref<1x!tpu.dma_semaphore, #tpu.memory_space<semaphore_mem>>
    %dma_start3A_238 = tpu.memref_squeeze %dma_start3A_237 : memref<1x!tpu.dma_semaphore, #tpu.memory_space<semaphore_mem>> -> memref<!tpu.dma_semaphore, #tpu.memory_space<semaphore_mem>>
    %dma_start3A_239 = arith.constant 0 : i32
    %dma_start3A_240 = arith.constant 0 : i32
    %dma_start3A_241 = tpu.memref_slice %arg7[%arg1, %dma_start3A_235, %dma_start3A_239, %dma_start3A_240] : memref<16x3x256x128xf32, #tpu.memory_space<vmem_shared>> -> memref<1x1x256x128xf32, #tpu.memory_space<vmem_shared>>
    %dma_start3A_242 = tpu.memref_squeeze %dma_start3A_241 : memref<1x1x256x128xf32, #tpu.memory_space<vmem_shared>> -> memref<256x128xf32, #tpu.memory_space<vmem_shared>>
    %dma_start3A_243 = arith.constant 0 : i32
    %dma_start3A_244 = tpu.memref_slice %arg3[%add3A_16, %dma_start3A_243] : memref<131072x128xf32, #tpu.memory_space<hbm>> -> memref<256x128xf32, #tpu.memory_space<hbm>>
    tpu.enqueue_dma source(%dma_start3A_244 : memref<256x128xf32, #tpu.memory_space<hbm>>) target(%dma_start3A_242 : memref<256x128xf32, #tpu.memory_space<vmem_shared>>) target_semaphore(%dma_start3A_238 : memref<!tpu.dma_semaphore, #tpu.memory_space<semaphore_mem>>)
    %dma_wait3A_245 = arith.constant 2 : i32
    %dma_wait3A_246 = arith.constant 2 : i32
    %dma_wait3A_247 = tpu.memref_slice %arg8[%dma_wait3A_246] : memref<3x!tpu.dma_semaphore, #tpu.memory_space<semaphore_mem>> -> memref<1x!tpu.dma_semaphore, #tpu.memory_space<semaphore_mem>>
    %dma_wait3A_248 = tpu.memref_squeeze %dma_wait3A_247 : memref<1x!tpu.dma_semaphore, #tpu.memory_space<semaphore_mem>> -> memref<!tpu.dma_semaphore, #tpu.memory_space<semaphore_mem>>
    %dma_wait3A_249 = arith.constant 0 : i32
    %dma_wait3A_250 = arith.constant 0 : i32
    %dma_wait3A_251 = tpu.memref_slice %arg7[%arg1, %dma_wait3A_245, %dma_wait3A_249, %dma_wait3A_250] : memref<16x3x256x128xf32, #tpu.memory_space<vmem_shared>> -> memref<1x1x256x128xf32, #tpu.memory_space<vmem_shared>>
    %dma_wait3A_252 = tpu.memref_squeeze %dma_wait3A_251 : memref<1x1x256x128xf32, #tpu.memory_space<vmem_shared>> -> memref<256x128xf32, #tpu.memory_space<vmem_shared>>
    %dma_wait3A_253 = arith.constant 0 : i32
    %dma_wait3A_254 = tpu.memref_slice %arg3[%add3A_14, %dma_wait3A_253] : memref<131072x128xf32, #tpu.memory_space<hbm>> -> memref<256x128xf32, #tpu.memory_space<hbm>>
    tpu.wait_dma2 semaphore(%dma_wait3A_248 : memref<!tpu.dma_semaphore, #tpu.memory_space<semaphore_mem>>) src(%dma_wait3A_254 : memref<256x128xf32, #tpu.memory_space<hbm>>) dst(%dma_wait3A_252 : memref<256x128xf32, #tpu.memory_space<vmem_shared>>)
    %dma_start3A_255 = arith.constant 2 : i32
    %dma_start3A_256 = arith.constant 2 : i32
    %dma_start3A_257 = tpu.memref_slice %arg9[%dma_start3A_256] : memref<3x!tpu.dma_semaphore, #tpu.memory_space<semaphore_mem>> -> memref<1x!tpu.dma_semaphore, #tpu.memory_space<semaphore_mem>>
    %dma_start3A_258 = tpu.memref_squeeze %dma_start3A_257 : memref<1x!tpu.dma_semaphore, #tpu.memory_space<semaphore_mem>> -> memref<!tpu.dma_semaphore, #tpu.memory_space<semaphore_mem>>
    %dma_start3A_259 = arith.constant 0 : i32
    %dma_start3A_260 = tpu.memref_slice %arg4[%add3A_14, %dma_start3A_259] : memref<131072x128xf32, #tpu.memory_space<hbm>> -> memref<256x128xf32, #tpu.memory_space<hbm>>
    %dma_start3A_261 = arith.constant 0 : i32
    %dma_start3A_262 = arith.constant 0 : i32
    %dma_start3A_263 = tpu.memref_slice %arg7[%arg1, %dma_start3A_255, %dma_start3A_261, %dma_start3A_262] : memref<16x3x256x128xf32, #tpu.memory_space<vmem_shared>> -> memref<1x1x256x128xf32, #tpu.memory_space<vmem_shared>>
    %dma_start3A_264 = tpu.memref_squeeze %dma_start3A_263 : memref<1x1x256x128xf32, #tpu.memory_space<vmem_shared>> -> memref<256x128xf32, #tpu.memory_space<vmem_shared>>
    tpu.enqueue_dma source(%dma_start3A_264 : memref<256x128xf32, #tpu.memory_space<vmem_shared>>) target(%dma_start3A_260 : memref<256x128xf32, #tpu.memory_space<hbm>>) target_semaphore(%dma_start3A_258 : memref<!tpu.dma_semaphore, #tpu.memory_space<semaphore_mem>>)
    %dma_wait3A_265 = arith.constant 1 : i32
    %dma_wait3A_266 = arith.constant 1 : i32
    %dma_wait3A_267 = tpu.memref_slice %arg9[%dma_wait3A_266] : memref<3x!tpu.dma_semaphore, #tpu.memory_space<semaphore_mem>> -> memref<1x!tpu.dma_semaphore, #tpu.memory_space<semaphore_mem>>
    %dma_wait3A_268 = tpu.memref_squeeze %dma_wait3A_267 : memref<1x!tpu.dma_semaphore, #tpu.memory_space<semaphore_mem>> -> memref<!tpu.dma_semaphore, #tpu.memory_space<semaphore_mem>>
    %dma_wait3A_269 = arith.constant 0 : i32
    %dma_wait3A_270 = tpu.memref_slice %arg4[%add3A_12, %dma_wait3A_269] : memref<131072x128xf32, #tpu.memory_space<hbm>> -> memref<256x128xf32, #tpu.memory_space<hbm>>
    %dma_wait3A_271 = arith.constant 0 : i32
    %dma_wait3A_272 = arith.constant 0 : i32
    %dma_wait3A_273 = tpu.memref_slice %arg7[%arg1, %dma_wait3A_265, %dma_wait3A_271, %dma_wait3A_272] : memref<16x3x256x128xf32, #tpu.memory_space<vmem_shared>> -> memref<1x1x256x128xf32, #tpu.memory_space<vmem_shared>>
    %dma_wait3A_274 = tpu.memref_squeeze %dma_wait3A_273 : memref<1x1x256x128xf32, #tpu.memory_space<vmem_shared>> -> memref<256x128xf32, #tpu.memory_space<vmem_shared>>
    tpu.wait_dma2 semaphore(%dma_wait3A_268 : memref<!tpu.dma_semaphore, #tpu.memory_space<semaphore_mem>>) src(%dma_wait3A_274 : memref<256x128xf32, #tpu.memory_space<vmem_shared>>) dst(%dma_wait3A_270 : memref<256x128xf32, #tpu.memory_space<hbm>>)
    %dma_start3A_275 = arith.constant 1 : i32
    %dma_start3A_276 = arith.constant 1 : i32
    %dma_start3A_277 = tpu.memref_slice %arg8[%dma_start3A_276] : memref<3x!tpu.dma_semaphore, #tpu.memory_space<semaphore_mem>> -> memref<1x!tpu.dma_semaphore, #tpu.memory_space<semaphore_mem>>
    %dma_start3A_278 = tpu.memref_squeeze %dma_start3A_277 : memref<1x!tpu.dma_semaphore, #tpu.memory_space<semaphore_mem>> -> memref<!tpu.dma_semaphore, #tpu.memory_space<semaphore_mem>>
    %dma_start3A_279 = arith.constant 0 : i32
    %dma_start3A_280 = arith.constant 0 : i32
    %dma_start3A_281 = tpu.memref_slice %arg7[%arg1, %dma_start3A_275, %dma_start3A_279, %dma_start3A_280] : memref<16x3x256x128xf32, #tpu.memory_space<vmem_shared>> -> memref<1x1x256x128xf32, #tpu.memory_space<vmem_shared>>
    %dma_start3A_282 = tpu.memref_squeeze %dma_start3A_281 : memref<1x1x256x128xf32, #tpu.memory_space<vmem_shared>> -> memref<256x128xf32, #tpu.memory_space<vmem_shared>>
    %dma_start3A_283 = arith.constant 0 : i32
    %dma_start3A_284 = tpu.memref_slice %arg3[%add3A_18, %dma_start3A_283] : memref<131072x128xf32, #tpu.memory_space<hbm>> -> memref<256x128xf32, #tpu.memory_space<hbm>>
    tpu.enqueue_dma source(%dma_start3A_284 : memref<256x128xf32, #tpu.memory_space<hbm>>) target(%dma_start3A_282 : memref<256x128xf32, #tpu.memory_space<vmem_shared>>) target_semaphore(%dma_start3A_278 : memref<!tpu.dma_semaphore, #tpu.memory_space<semaphore_mem>>)
    %dma_wait3A_285 = arith.constant 0 : i32
    %dma_wait3A_286 = arith.constant 0 : i32
    %dma_wait3A_287 = tpu.memref_slice %arg8[%dma_wait3A_286] : memref<3x!tpu.dma_semaphore, #tpu.memory_space<semaphore_mem>> -> memref<1x!tpu.dma_semaphore, #tpu.memory_space<semaphore_mem>>
    %dma_wait3A_288 = tpu.memref_squeeze %dma_wait3A_287 : memref<1x!tpu.dma_semaphore, #tpu.memory_space<semaphore_mem>> -> memref<!tpu.dma_semaphore, #tpu.memory_space<semaphore_mem>>
    %dma_wait3A_289 = arith.constant 0 : i32
    %dma_wait3A_290 = arith.constant 0 : i32
    %dma_wait3A_291 = tpu.memref_slice %arg7[%arg1, %dma_wait3A_285, %dma_wait3A_289, %dma_wait3A_290] : memref<16x3x256x128xf32, #tpu.memory_space<vmem_shared>> -> memref<1x1x256x128xf32, #tpu.memory_space<vmem_shared>>
    %dma_wait3A_292 = tpu.memref_squeeze %dma_wait3A_291 : memref<1x1x256x128xf32, #tpu.memory_space<vmem_shared>> -> memref<256x128xf32, #tpu.memory_space<vmem_shared>>
    %dma_wait3A_293 = arith.constant 0 : i32
    %dma_wait3A_294 = tpu.memref_slice %arg3[%add3A_16, %dma_wait3A_293] : memref<131072x128xf32, #tpu.memory_space<hbm>> -> memref<256x128xf32, #tpu.memory_space<hbm>>
    tpu.wait_dma2 semaphore(%dma_wait3A_288 : memref<!tpu.dma_semaphore, #tpu.memory_space<semaphore_mem>>) src(%dma_wait3A_294 : memref<256x128xf32, #tpu.memory_space<hbm>>) dst(%dma_wait3A_292 : memref<256x128xf32, #tpu.memory_space<vmem_shared>>)
    %dma_start3A_295 = arith.constant 0 : i32
    %dma_start3A_296 = arith.constant 0 : i32
    %dma_start3A_297 = tpu.memref_slice %arg9[%dma_start3A_296] : memref<3x!tpu.dma_semaphore, #tpu.memory_space<semaphore_mem>> -> memref<1x!tpu.dma_semaphore, #tpu.memory_space<semaphore_mem>>
    %dma_start3A_298 = tpu.memref_squeeze %dma_start3A_297 : memref<1x!tpu.dma_semaphore, #tpu.memory_space<semaphore_mem>> -> memref<!tpu.dma_semaphore, #tpu.memory_space<semaphore_mem>>
    %dma_start3A_299 = arith.constant 0 : i32
    %dma_start3A_300 = tpu.memref_slice %arg4[%add3A_16, %dma_start3A_299] : memref<131072x128xf32, #tpu.memory_space<hbm>> -> memref<256x128xf32, #tpu.memory_space<hbm>>
    %dma_start3A_301 = arith.constant 0 : i32
    %dma_start3A_302 = arith.constant 0 : i32
    %dma_start3A_303 = tpu.memref_slice %arg7[%arg1, %dma_start3A_295, %dma_start3A_301, %dma_start3A_302] : memref<16x3x256x128xf32, #tpu.memory_space<vmem_shared>> -> memref<1x1x256x128xf32, #tpu.memory_space<vmem_shared>>
    %dma_start3A_304 = tpu.memref_squeeze %dma_start3A_303 : memref<1x1x256x128xf32, #tpu.memory_space<vmem_shared>> -> memref<256x128xf32, #tpu.memory_space<vmem_shared>>
    tpu.enqueue_dma source(%dma_start3A_304 : memref<256x128xf32, #tpu.memory_space<vmem_shared>>) target(%dma_start3A_300 : memref<256x128xf32, #tpu.memory_space<hbm>>) target_semaphore(%dma_start3A_298 : memref<!tpu.dma_semaphore, #tpu.memory_space<semaphore_mem>>)
    %dma_wait3A_305 = arith.constant 2 : i32
    %dma_wait3A_306 = arith.constant 2 : i32
    %dma_wait3A_307 = tpu.memref_slice %arg9[%dma_wait3A_306] : memref<3x!tpu.dma_semaphore, #tpu.memory_space<semaphore_mem>> -> memref<1x!tpu.dma_semaphore, #tpu.memory_space<semaphore_mem>>
    %dma_wait3A_308 = tpu.memref_squeeze %dma_wait3A_307 : memref<1x!tpu.dma_semaphore, #tpu.memory_space<semaphore_mem>> -> memref<!tpu.dma_semaphore, #tpu.memory_space<semaphore_mem>>
    %dma_wait3A_309 = arith.constant 0 : i32
    %dma_wait3A_310 = tpu.memref_slice %arg4[%add3A_14, %dma_wait3A_309] : memref<131072x128xf32, #tpu.memory_space<hbm>> -> memref<256x128xf32, #tpu.memory_space<hbm>>
    %dma_wait3A_311 = arith.constant 0 : i32
    %dma_wait3A_312 = arith.constant 0 : i32
    %dma_wait3A_313 = tpu.memref_slice %arg7[%arg1, %dma_wait3A_305, %dma_wait3A_311, %dma_wait3A_312] : memref<16x3x256x128xf32, #tpu.memory_space<vmem_shared>> -> memref<1x1x256x128xf32, #tpu.memory_space<vmem_shared>>
    %dma_wait3A_314 = tpu.memref_squeeze %dma_wait3A_313 : memref<1x1x256x128xf32, #tpu.memory_space<vmem_shared>> -> memref<256x128xf32, #tpu.memory_space<vmem_shared>>
    tpu.wait_dma2 semaphore(%dma_wait3A_308 : memref<!tpu.dma_semaphore, #tpu.memory_space<semaphore_mem>>) src(%dma_wait3A_314 : memref<256x128xf32, #tpu.memory_space<vmem_shared>>) dst(%dma_wait3A_310 : memref<256x128xf32, #tpu.memory_space<hbm>>)
    %dma_start3A_315 = arith.constant 2 : i32
    %dma_start3A_316 = arith.constant 2 : i32
    %dma_start3A_317 = tpu.memref_slice %arg8[%dma_start3A_316] : memref<3x!tpu.dma_semaphore, #tpu.memory_space<semaphore_mem>> -> memref<1x!tpu.dma_semaphore, #tpu.memory_space<semaphore_mem>>
    %dma_start3A_318 = tpu.memref_squeeze %dma_start3A_317 : memref<1x!tpu.dma_semaphore, #tpu.memory_space<semaphore_mem>> -> memref<!tpu.dma_semaphore, #tpu.memory_space<semaphore_mem>>
    %dma_start3A_319 = arith.constant 0 : i32
    %dma_start3A_320 = arith.constant 0 : i32
    %dma_start3A_321 = tpu.memref_slice %arg7[%arg1, %dma_start3A_315, %dma_start3A_319, %dma_start3A_320] : memref<16x3x256x128xf32, #tpu.memory_space<vmem_shared>> -> memref<1x1x256x128xf32, #tpu.memory_space<vmem_shared>>
    %dma_start3A_322 = tpu.memref_squeeze %dma_start3A_321 : memref<1x1x256x128xf32, #tpu.memory_space<vmem_shared>> -> memref<256x128xf32, #tpu.memory_space<vmem_shared>>
    %dma_start3A_323 = arith.constant 0 : i32
    %dma_start3A_324 = tpu.memref_slice %arg3[%add3A_20, %dma_start3A_323] : memref<131072x128xf32, #tpu.memory_space<hbm>> -> memref<256x128xf32, #tpu.memory_space<hbm>>
    tpu.enqueue_dma source(%dma_start3A_324 : memref<256x128xf32, #tpu.memory_space<hbm>>) target(%dma_start3A_322 : memref<256x128xf32, #tpu.memory_space<vmem_shared>>) target_semaphore(%dma_start3A_318 : memref<!tpu.dma_semaphore, #tpu.memory_space<semaphore_mem>>)
    %dma_wait3A_325 = arith.constant 1 : i32
    %dma_wait3A_326 = arith.constant 1 : i32
    %dma_wait3A_327 = tpu.memref_slice %arg8[%dma_wait3A_326] : memref<3x!tpu.dma_semaphore, #tpu.memory_space<semaphore_mem>> -> memref<1x!tpu.dma_semaphore, #tpu.memory_space<semaphore_mem>>
    %dma_wait3A_328 = tpu.memref_squeeze %dma_wait3A_327 : memref<1x!tpu.dma_semaphore, #tpu.memory_space<semaphore_mem>> -> memref<!tpu.dma_semaphore, #tpu.memory_space<semaphore_mem>>
    %dma_wait3A_329 = arith.constant 0 : i32
    %dma_wait3A_330 = arith.constant 0 : i32
    %dma_wait3A_331 = tpu.memref_slice %arg7[%arg1, %dma_wait3A_325, %dma_wait3A_329, %dma_wait3A_330] : memref<16x3x256x128xf32, #tpu.memory_space<vmem_shared>> -> memref<1x1x256x128xf32, #tpu.memory_space<vmem_shared>>
    %dma_wait3A_332 = tpu.memref_squeeze %dma_wait3A_331 : memref<1x1x256x128xf32, #tpu.memory_space<vmem_shared>> -> memref<256x128xf32, #tpu.memory_space<vmem_shared>>
    %dma_wait3A_333 = arith.constant 0 : i32
    %dma_wait3A_334 = tpu.memref_slice %arg3[%add3A_18, %dma_wait3A_333] : memref<131072x128xf32, #tpu.memory_space<hbm>> -> memref<256x128xf32, #tpu.memory_space<hbm>>
    tpu.wait_dma2 semaphore(%dma_wait3A_328 : memref<!tpu.dma_semaphore, #tpu.memory_space<semaphore_mem>>) src(%dma_wait3A_334 : memref<256x128xf32, #tpu.memory_space<hbm>>) dst(%dma_wait3A_332 : memref<256x128xf32, #tpu.memory_space<vmem_shared>>)
    %dma_start3A_335 = arith.constant 1 : i32
    %dma_start3A_336 = arith.constant 1 : i32
    %dma_start3A_337 = tpu.memref_slice %arg9[%dma_start3A_336] : memref<3x!tpu.dma_semaphore, #tpu.memory_space<semaphore_mem>> -> memref<1x!tpu.dma_semaphore, #tpu.memory_space<semaphore_mem>>
    %dma_start3A_338 = tpu.memref_squeeze %dma_start3A_337 : memref<1x!tpu.dma_semaphore, #tpu.memory_space<semaphore_mem>> -> memref<!tpu.dma_semaphore, #tpu.memory_space<semaphore_mem>>
    %dma_start3A_339 = arith.constant 0 : i32
    %dma_start3A_340 = tpu.memref_slice %arg4[%add3A_18, %dma_start3A_339] : memref<131072x128xf32, #tpu.memory_space<hbm>> -> memref<256x128xf32, #tpu.memory_space<hbm>>
    %dma_start3A_341 = arith.constant 0 : i32
    %dma_start3A_342 = arith.constant 0 : i32
    %dma_start3A_343 = tpu.memref_slice %arg7[%arg1, %dma_start3A_335, %dma_start3A_341, %dma_start3A_342] : memref<16x3x256x128xf32, #tpu.memory_space<vmem_shared>> -> memref<1x1x256x128xf32, #tpu.memory_space<vmem_shared>>
    %dma_start3A_344 = tpu.memref_squeeze %dma_start3A_343 : memref<1x1x256x128xf32, #tpu.memory_space<vmem_shared>> -> memref<256x128xf32, #tpu.memory_space<vmem_shared>>
    tpu.enqueue_dma source(%dma_start3A_344 : memref<256x128xf32, #tpu.memory_space<vmem_shared>>) target(%dma_start3A_340 : memref<256x128xf32, #tpu.memory_space<hbm>>) target_semaphore(%dma_start3A_338 : memref<!tpu.dma_semaphore, #tpu.memory_space<semaphore_mem>>)
    %dma_wait3A_345 = arith.constant 0 : i32
    %dma_wait3A_346 = arith.constant 0 : i32
    %dma_wait3A_347 = tpu.memref_slice %arg9[%dma_wait3A_346] : memref<3x!tpu.dma_semaphore, #tpu.memory_space<semaphore_mem>> -> memref<1x!tpu.dma_semaphore, #tpu.memory_space<semaphore_mem>>
    %dma_wait3A_348 = tpu.memref_squeeze %dma_wait3A_347 : memref<1x!tpu.dma_semaphore, #tpu.memory_space<semaphore_mem>> -> memref<!tpu.dma_semaphore, #tpu.memory_space<semaphore_mem>>
    %dma_wait3A_349 = arith.constant 0 : i32
    %dma_wait3A_350 = tpu.memref_slice %arg4[%add3A_16, %dma_wait3A_349] : memref<131072x128xf32, #tpu.memory_space<hbm>> -> memref<256x128xf32, #tpu.memory_space<hbm>>
    %dma_wait3A_351 = arith.constant 0 : i32
    %dma_wait3A_352 = arith.constant 0 : i32
    %dma_wait3A_353 = tpu.memref_slice %arg7[%arg1, %dma_wait3A_345, %dma_wait3A_351, %dma_wait3A_352] : memref<16x3x256x128xf32, #tpu.memory_space<vmem_shared>> -> memref<1x1x256x128xf32, #tpu.memory_space<vmem_shared>>
    %dma_wait3A_354 = tpu.memref_squeeze %dma_wait3A_353 : memref<1x1x256x128xf32, #tpu.memory_space<vmem_shared>> -> memref<256x128xf32, #tpu.memory_space<vmem_shared>>
    tpu.wait_dma2 semaphore(%dma_wait3A_348 : memref<!tpu.dma_semaphore, #tpu.memory_space<semaphore_mem>>) src(%dma_wait3A_354 : memref<256x128xf32, #tpu.memory_space<vmem_shared>>) dst(%dma_wait3A_350 : memref<256x128xf32, #tpu.memory_space<hbm>>)
    %dma_start3A_355 = arith.constant 0 : i32
    %dma_start3A_356 = arith.constant 0 : i32
    %dma_start3A_357 = tpu.memref_slice %arg8[%dma_start3A_356] : memref<3x!tpu.dma_semaphore, #tpu.memory_space<semaphore_mem>> -> memref<1x!tpu.dma_semaphore, #tpu.memory_space<semaphore_mem>>
    %dma_start3A_358 = tpu.memref_squeeze %dma_start3A_357 : memref<1x!tpu.dma_semaphore, #tpu.memory_space<semaphore_mem>> -> memref<!tpu.dma_semaphore, #tpu.memory_space<semaphore_mem>>
    %dma_start3A_359 = arith.constant 0 : i32
    %dma_start3A_360 = arith.constant 0 : i32
    %dma_start3A_361 = tpu.memref_slice %arg7[%arg1, %dma_start3A_355, %dma_start3A_359, %dma_start3A_360] : memref<16x3x256x128xf32, #tpu.memory_space<vmem_shared>> -> memref<1x1x256x128xf32, #tpu.memory_space<vmem_shared>>
    %dma_start3A_362 = tpu.memref_squeeze %dma_start3A_361 : memref<1x1x256x128xf32, #tpu.memory_space<vmem_shared>> -> memref<256x128xf32, #tpu.memory_space<vmem_shared>>
    %dma_start3A_363 = arith.constant 0 : i32
    %dma_start3A_364 = tpu.memref_slice %arg3[%add3A_22, %dma_start3A_363] : memref<131072x128xf32, #tpu.memory_space<hbm>> -> memref<256x128xf32, #tpu.memory_space<hbm>>
    tpu.enqueue_dma source(%dma_start3A_364 : memref<256x128xf32, #tpu.memory_space<hbm>>) target(%dma_start3A_362 : memref<256x128xf32, #tpu.memory_space<vmem_shared>>) target_semaphore(%dma_start3A_358 : memref<!tpu.dma_semaphore, #tpu.memory_space<semaphore_mem>>)
    %dma_wait3A_365 = arith.constant 2 : i32
    %dma_wait3A_366 = arith.constant 2 : i32
    %dma_wait3A_367 = tpu.memref_slice %arg8[%dma_wait3A_366] : memref<3x!tpu.dma_semaphore, #tpu.memory_space<semaphore_mem>> -> memref<1x!tpu.dma_semaphore, #tpu.memory_space<semaphore_mem>>
    %dma_wait3A_368 = tpu.memref_squeeze %dma_wait3A_367 : memref<1x!tpu.dma_semaphore, #tpu.memory_space<semaphore_mem>> -> memref<!tpu.dma_semaphore, #tpu.memory_space<semaphore_mem>>
    %dma_wait3A_369 = arith.constant 0 : i32
    %dma_wait3A_370 = arith.constant 0 : i32
    %dma_wait3A_371 = tpu.memref_slice %arg7[%arg1, %dma_wait3A_365, %dma_wait3A_369, %dma_wait3A_370] : memref<16x3x256x128xf32, #tpu.memory_space<vmem_shared>> -> memref<1x1x256x128xf32, #tpu.memory_space<vmem_shared>>
    %dma_wait3A_372 = tpu.memref_squeeze %dma_wait3A_371 : memref<1x1x256x128xf32, #tpu.memory_space<vmem_shared>> -> memref<256x128xf32, #tpu.memory_space<vmem_shared>>
    %dma_wait3A_373 = arith.constant 0 : i32
    %dma_wait3A_374 = tpu.memref_slice %arg3[%add3A_20, %dma_wait3A_373] : memref<131072x128xf32, #tpu.memory_space<hbm>> -> memref<256x128xf32, #tpu.memory_space<hbm>>
    tpu.wait_dma2 semaphore(%dma_wait3A_368 : memref<!tpu.dma_semaphore, #tpu.memory_space<semaphore_mem>>) src(%dma_wait3A_374 : memref<256x128xf32, #tpu.memory_space<hbm>>) dst(%dma_wait3A_372 : memref<256x128xf32, #tpu.memory_space<vmem_shared>>)
    %dma_start3A_375 = arith.constant 2 : i32
    %dma_start3A_376 = arith.constant 2 : i32
    %dma_start3A_377 = tpu.memref_slice %arg9[%dma_start3A_376] : memref<3x!tpu.dma_semaphore, #tpu.memory_space<semaphore_mem>> -> memref<1x!tpu.dma_semaphore, #tpu.memory_space<semaphore_mem>>
    %dma_start3A_378 = tpu.memref_squeeze %dma_start3A_377 : memref<1x!tpu.dma_semaphore, #tpu.memory_space<semaphore_mem>> -> memref<!tpu.dma_semaphore, #tpu.memory_space<semaphore_mem>>
    %dma_start3A_379 = arith.constant 0 : i32
    %dma_start3A_380 = tpu.memref_slice %arg4[%add3A_20, %dma_start3A_379] : memref<131072x128xf32, #tpu.memory_space<hbm>> -> memref<256x128xf32, #tpu.memory_space<hbm>>
    %dma_start3A_381 = arith.constant 0 : i32
    %dma_start3A_382 = arith.constant 0 : i32
    %dma_start3A_383 = tpu.memref_slice %arg7[%arg1, %dma_start3A_375, %dma_start3A_381, %dma_start3A_382] : memref<16x3x256x128xf32, #tpu.memory_space<vmem_shared>> -> memref<1x1x256x128xf32, #tpu.memory_space<vmem_shared>>
    %dma_start3A_384 = tpu.memref_squeeze %dma_start3A_383 : memref<1x1x256x128xf32, #tpu.memory_space<vmem_shared>> -> memref<256x128xf32, #tpu.memory_space<vmem_shared>>
    tpu.enqueue_dma source(%dma_start3A_384 : memref<256x128xf32, #tpu.memory_space<vmem_shared>>) target(%dma_start3A_380 : memref<256x128xf32, #tpu.memory_space<hbm>>) target_semaphore(%dma_start3A_378 : memref<!tpu.dma_semaphore, #tpu.memory_space<semaphore_mem>>)
    %dma_wait3A_385 = arith.constant 1 : i32
    %dma_wait3A_386 = arith.constant 1 : i32
    %dma_wait3A_387 = tpu.memref_slice %arg9[%dma_wait3A_386] : memref<3x!tpu.dma_semaphore, #tpu.memory_space<semaphore_mem>> -> memref<1x!tpu.dma_semaphore, #tpu.memory_space<semaphore_mem>>
    %dma_wait3A_388 = tpu.memref_squeeze %dma_wait3A_387 : memref<1x!tpu.dma_semaphore, #tpu.memory_space<semaphore_mem>> -> memref<!tpu.dma_semaphore, #tpu.memory_space<semaphore_mem>>
    %dma_wait3A_389 = arith.constant 0 : i32
    %dma_wait3A_390 = tpu.memref_slice %arg4[%add3A_18, %dma_wait3A_389] : memref<131072x128xf32, #tpu.memory_space<hbm>> -> memref<256x128xf32, #tpu.memory_space<hbm>>
    %dma_wait3A_391 = arith.constant 0 : i32
    %dma_wait3A_392 = arith.constant 0 : i32
    %dma_wait3A_393 = tpu.memref_slice %arg7[%arg1, %dma_wait3A_385, %dma_wait3A_391, %dma_wait3A_392] : memref<16x3x256x128xf32, #tpu.memory_space<vmem_shared>> -> memref<1x1x256x128xf32, #tpu.memory_space<vmem_shared>>
    %dma_wait3A_394 = tpu.memref_squeeze %dma_wait3A_393 : memref<1x1x256x128xf32, #tpu.memory_space<vmem_shared>> -> memref<256x128xf32, #tpu.memory_space<vmem_shared>>
    tpu.wait_dma2 semaphore(%dma_wait3A_388 : memref<!tpu.dma_semaphore, #tpu.memory_space<semaphore_mem>>) src(%dma_wait3A_394 : memref<256x128xf32, #tpu.memory_space<vmem_shared>>) dst(%dma_wait3A_390 : memref<256x128xf32, #tpu.memory_space<hbm>>)
    %dma_start3A_395 = arith.constant 1 : i32
    %dma_start3A_396 = arith.constant 1 : i32
    %dma_start3A_397 = tpu.memref_slice %arg8[%dma_start3A_396] : memref<3x!tpu.dma_semaphore, #tpu.memory_space<semaphore_mem>> -> memref<1x!tpu.dma_semaphore, #tpu.memory_space<semaphore_mem>>
    %dma_start3A_398 = tpu.memref_squeeze %dma_start3A_397 : memref<1x!tpu.dma_semaphore, #tpu.memory_space<semaphore_mem>> -> memref<!tpu.dma_semaphore, #tpu.memory_space<semaphore_mem>>
    %dma_start3A_399 = arith.constant 0 : i32
    %dma_start3A_400 = arith.constant 0 : i32
    %dma_start3A_401 = tpu.memref_slice %arg7[%arg1, %dma_start3A_395, %dma_start3A_399, %dma_start3A_400] : memref<16x3x256x128xf32, #tpu.memory_space<vmem_shared>> -> memref<1x1x256x128xf32, #tpu.memory_space<vmem_shared>>
    %dma_start3A_402 = tpu.memref_squeeze %dma_start3A_401 : memref<1x1x256x128xf32, #tpu.memory_space<vmem_shared>> -> memref<256x128xf32, #tpu.memory_space<vmem_shared>>
    %dma_start3A_403 = arith.constant 0 : i32
    %dma_start3A_404 = tpu.memref_slice %arg3[%add3A_24, %dma_start3A_403] : memref<131072x128xf32, #tpu.memory_space<hbm>> -> memref<256x128xf32, #tpu.memory_space<hbm>>
    tpu.enqueue_dma source(%dma_start3A_404 : memref<256x128xf32, #tpu.memory_space<hbm>>) target(%dma_start3A_402 : memref<256x128xf32, #tpu.memory_space<vmem_shared>>) target_semaphore(%dma_start3A_398 : memref<!tpu.dma_semaphore, #tpu.memory_space<semaphore_mem>>)
    %dma_wait3A_405 = arith.constant 0 : i32
    %dma_wait3A_406 = arith.constant 0 : i32
    %dma_wait3A_407 = tpu.memref_slice %arg8[%dma_wait3A_406] : memref<3x!tpu.dma_semaphore, #tpu.memory_space<semaphore_mem>> -> memref<1x!tpu.dma_semaphore, #tpu.memory_space<semaphore_mem>>
    %dma_wait3A_408 = tpu.memref_squeeze %dma_wait3A_407 : memref<1x!tpu.dma_semaphore, #tpu.memory_space<semaphore_mem>> -> memref<!tpu.dma_semaphore, #tpu.memory_space<semaphore_mem>>
    %dma_wait3A_409 = arith.constant 0 : i32
    %dma_wait3A_410 = arith.constant 0 : i32
    %dma_wait3A_411 = tpu.memref_slice %arg7[%arg1, %dma_wait3A_405, %dma_wait3A_409, %dma_wait3A_410] : memref<16x3x256x128xf32, #tpu.memory_space<vmem_shared>> -> memref<1x1x256x128xf32, #tpu.memory_space<vmem_shared>>
    %dma_wait3A_412 = tpu.memref_squeeze %dma_wait3A_411 : memref<1x1x256x128xf32, #tpu.memory_space<vmem_shared>> -> memref<256x128xf32, #tpu.memory_space<vmem_shared>>
    %dma_wait3A_413 = arith.constant 0 : i32
    %dma_wait3A_414 = tpu.memref_slice %arg3[%add3A_22, %dma_wait3A_413] : memref<131072x128xf32, #tpu.memory_space<hbm>> -> memref<256x128xf32, #tpu.memory_space<hbm>>
    tpu.wait_dma2 semaphore(%dma_wait3A_408 : memref<!tpu.dma_semaphore, #tpu.memory_space<semaphore_mem>>) src(%dma_wait3A_414 : memref<256x128xf32, #tpu.memory_space<hbm>>) dst(%dma_wait3A_412 : memref<256x128xf32, #tpu.memory_space<vmem_shared>>)
    %dma_start3A_415 = arith.constant 0 : i32
    %dma_start3A_416 = arith.constant 0 : i32
    %dma_start3A_417 = tpu.memref_slice %arg9[%dma_start3A_416] : memref<3x!tpu.dma_semaphore, #tpu.memory_space<semaphore_mem>> -> memref<1x!tpu.dma_semaphore, #tpu.memory_space<semaphore_mem>>
    %dma_start3A_418 = tpu.memref_squeeze %dma_start3A_417 : memref<1x!tpu.dma_semaphore, #tpu.memory_space<semaphore_mem>> -> memref<!tpu.dma_semaphore, #tpu.memory_space<semaphore_mem>>
    %dma_start3A_419 = arith.constant 0 : i32
    %dma_start3A_420 = tpu.memref_slice %arg4[%add3A_22, %dma_start3A_419] : memref<131072x128xf32, #tpu.memory_space<hbm>> -> memref<256x128xf32, #tpu.memory_space<hbm>>
    %dma_start3A_421 = arith.constant 0 : i32
    %dma_start3A_422 = arith.constant 0 : i32
    %dma_start3A_423 = tpu.memref_slice %arg7[%arg1, %dma_start3A_415, %dma_start3A_421, %dma_start3A_422] : memref<16x3x256x128xf32, #tpu.memory_space<vmem_shared>> -> memref<1x1x256x128xf32, #tpu.memory_space<vmem_shared>>
    %dma_start3A_424 = tpu.memref_squeeze %dma_start3A_423 : memref<1x1x256x128xf32, #tpu.memory_space<vmem_shared>> -> memref<256x128xf32, #tpu.memory_space<vmem_shared>>
    tpu.enqueue_dma source(%dma_start3A_424 : memref<256x128xf32, #tpu.memory_space<vmem_shared>>) target(%dma_start3A_420 : memref<256x128xf32, #tpu.memory_space<hbm>>) target_semaphore(%dma_start3A_418 : memref<!tpu.dma_semaphore, #tpu.memory_space<semaphore_mem>>)
    %dma_wait3A_425 = arith.constant 2 : i32
    %dma_wait3A_426 = arith.constant 2 : i32
    %dma_wait3A_427 = tpu.memref_slice %arg9[%dma_wait3A_426] : memref<3x!tpu.dma_semaphore, #tpu.memory_space<semaphore_mem>> -> memref<1x!tpu.dma_semaphore, #tpu.memory_space<semaphore_mem>>
    %dma_wait3A_428 = tpu.memref_squeeze %dma_wait3A_427 : memref<1x!tpu.dma_semaphore, #tpu.memory_space<semaphore_mem>> -> memref<!tpu.dma_semaphore, #tpu.memory_space<semaphore_mem>>
    %dma_wait3A_429 = arith.constant 0 : i32
    %dma_wait3A_430 = tpu.memref_slice %arg4[%add3A_20, %dma_wait3A_429] : memref<131072x128xf32, #tpu.memory_space<hbm>> -> memref<256x128xf32, #tpu.memory_space<hbm>>
    %dma_wait3A_431 = arith.constant 0 : i32
    %dma_wait3A_432 = arith.constant 0 : i32
    %dma_wait3A_433 = tpu.memref_slice %arg7[%arg1, %dma_wait3A_425, %dma_wait3A_431, %dma_wait3A_432] : memref<16x3x256x128xf32, #tpu.memory_space<vmem_shared>> -> memref<1x1x256x128xf32, #tpu.memory_space<vmem_shared>>
    %dma_wait3A_434 = tpu.memref_squeeze %dma_wait3A_433 : memref<1x1x256x128xf32, #tpu.memory_space<vmem_shared>> -> memref<256x128xf32, #tpu.memory_space<vmem_shared>>
    tpu.wait_dma2 semaphore(%dma_wait3A_428 : memref<!tpu.dma_semaphore, #tpu.memory_space<semaphore_mem>>) src(%dma_wait3A_434 : memref<256x128xf32, #tpu.memory_space<vmem_shared>>) dst(%dma_wait3A_430 : memref<256x128xf32, #tpu.memory_space<hbm>>)
    %dma_start3A_435 = arith.constant 2 : i32
    %dma_start3A_436 = arith.constant 2 : i32
    %dma_start3A_437 = tpu.memref_slice %arg8[%dma_start3A_436] : memref<3x!tpu.dma_semaphore, #tpu.memory_space<semaphore_mem>> -> memref<1x!tpu.dma_semaphore, #tpu.memory_space<semaphore_mem>>
    %dma_start3A_438 = tpu.memref_squeeze %dma_start3A_437 : memref<1x!tpu.dma_semaphore, #tpu.memory_space<semaphore_mem>> -> memref<!tpu.dma_semaphore, #tpu.memory_space<semaphore_mem>>
    %dma_start3A_439 = arith.constant 0 : i32
    %dma_start3A_440 = arith.constant 0 : i32
    %dma_start3A_441 = tpu.memref_slice %arg7[%arg1, %dma_start3A_435, %dma_start3A_439, %dma_start3A_440] : memref<16x3x256x128xf32, #tpu.memory_space<vmem_shared>> -> memref<1x1x256x128xf32, #tpu.memory_space<vmem_shared>>
    %dma_start3A_442 = tpu.memref_squeeze %dma_start3A_441 : memref<1x1x256x128xf32, #tpu.memory_space<vmem_shared>> -> memref<256x128xf32, #tpu.memory_space<vmem_shared>>
    %dma_start3A_443 = arith.constant 0 : i32
    %dma_start3A_444 = tpu.memref_slice %arg3[%add3A_26, %dma_start3A_443] : memref<131072x128xf32, #tpu.memory_space<hbm>> -> memref<256x128xf32, #tpu.memory_space<hbm>>
    tpu.enqueue_dma source(%dma_start3A_444 : memref<256x128xf32, #tpu.memory_space<hbm>>) target(%dma_start3A_442 : memref<256x128xf32, #tpu.memory_space<vmem_shared>>) target_semaphore(%dma_start3A_438 : memref<!tpu.dma_semaphore, #tpu.memory_space<semaphore_mem>>)
    %dma_wait3A_445 = arith.constant 1 : i32
    %dma_wait3A_446 = arith.constant 1 : i32
    %dma_wait3A_447 = tpu.memref_slice %arg8[%dma_wait3A_446] : memref<3x!tpu.dma_semaphore, #tpu.memory_space<semaphore_mem>> -> memref<1x!tpu.dma_semaphore, #tpu.memory_space<semaphore_mem>>
    %dma_wait3A_448 = tpu.memref_squeeze %dma_wait3A_447 : memref<1x!tpu.dma_semaphore, #tpu.memory_space<semaphore_mem>> -> memref<!tpu.dma_semaphore, #tpu.memory_space<semaphore_mem>>
    %dma_wait3A_449 = arith.constant 0 : i32
    %dma_wait3A_450 = arith.constant 0 : i32
    %dma_wait3A_451 = tpu.memref_slice %arg7[%arg1, %dma_wait3A_445, %dma_wait3A_449, %dma_wait3A_450] : memref<16x3x256x128xf32, #tpu.memory_space<vmem_shared>> -> memref<1x1x256x128xf32, #tpu.memory_space<vmem_shared>>
    %dma_wait3A_452 = tpu.memref_squeeze %dma_wait3A_451 : memref<1x1x256x128xf32, #tpu.memory_space<vmem_shared>> -> memref<256x128xf32, #tpu.memory_space<vmem_shared>>
    %dma_wait3A_453 = arith.constant 0 : i32
    %dma_wait3A_454 = tpu.memref_slice %arg3[%add3A_24, %dma_wait3A_453] : memref<131072x128xf32, #tpu.memory_space<hbm>> -> memref<256x128xf32, #tpu.memory_space<hbm>>
    tpu.wait_dma2 semaphore(%dma_wait3A_448 : memref<!tpu.dma_semaphore, #tpu.memory_space<semaphore_mem>>) src(%dma_wait3A_454 : memref<256x128xf32, #tpu.memory_space<hbm>>) dst(%dma_wait3A_452 : memref<256x128xf32, #tpu.memory_space<vmem_shared>>)
    %dma_start3A_455 = arith.constant 1 : i32
    %dma_start3A_456 = arith.constant 1 : i32
    %dma_start3A_457 = tpu.memref_slice %arg9[%dma_start3A_456] : memref<3x!tpu.dma_semaphore, #tpu.memory_space<semaphore_mem>> -> memref<1x!tpu.dma_semaphore, #tpu.memory_space<semaphore_mem>>
    %dma_start3A_458 = tpu.memref_squeeze %dma_start3A_457 : memref<1x!tpu.dma_semaphore, #tpu.memory_space<semaphore_mem>> -> memref<!tpu.dma_semaphore, #tpu.memory_space<semaphore_mem>>
    %dma_start3A_459 = arith.constant 0 : i32
    %dma_start3A_460 = tpu.memref_slice %arg4[%add3A_24, %dma_start3A_459] : memref<131072x128xf32, #tpu.memory_space<hbm>> -> memref<256x128xf32, #tpu.memory_space<hbm>>
    %dma_start3A_461 = arith.constant 0 : i32
    %dma_start3A_462 = arith.constant 0 : i32
    %dma_start3A_463 = tpu.memref_slice %arg7[%arg1, %dma_start3A_455, %dma_start3A_461, %dma_start3A_462] : memref<16x3x256x128xf32, #tpu.memory_space<vmem_shared>> -> memref<1x1x256x128xf32, #tpu.memory_space<vmem_shared>>
    %dma_start3A_464 = tpu.memref_squeeze %dma_start3A_463 : memref<1x1x256x128xf32, #tpu.memory_space<vmem_shared>> -> memref<256x128xf32, #tpu.memory_space<vmem_shared>>
    tpu.enqueue_dma source(%dma_start3A_464 : memref<256x128xf32, #tpu.memory_space<vmem_shared>>) target(%dma_start3A_460 : memref<256x128xf32, #tpu.memory_space<hbm>>) target_semaphore(%dma_start3A_458 : memref<!tpu.dma_semaphore, #tpu.memory_space<semaphore_mem>>)
    %dma_wait3A_465 = arith.constant 0 : i32
    %dma_wait3A_466 = arith.constant 0 : i32
    %dma_wait3A_467 = tpu.memref_slice %arg9[%dma_wait3A_466] : memref<3x!tpu.dma_semaphore, #tpu.memory_space<semaphore_mem>> -> memref<1x!tpu.dma_semaphore, #tpu.memory_space<semaphore_mem>>
    %dma_wait3A_468 = tpu.memref_squeeze %dma_wait3A_467 : memref<1x!tpu.dma_semaphore, #tpu.memory_space<semaphore_mem>> -> memref<!tpu.dma_semaphore, #tpu.memory_space<semaphore_mem>>
    %dma_wait3A_469 = arith.constant 0 : i32
    %dma_wait3A_470 = tpu.memref_slice %arg4[%add3A_22, %dma_wait3A_469] : memref<131072x128xf32, #tpu.memory_space<hbm>> -> memref<256x128xf32, #tpu.memory_space<hbm>>
    %dma_wait3A_471 = arith.constant 0 : i32
    %dma_wait3A_472 = arith.constant 0 : i32
    %dma_wait3A_473 = tpu.memref_slice %arg7[%arg1, %dma_wait3A_465, %dma_wait3A_471, %dma_wait3A_472] : memref<16x3x256x128xf32, #tpu.memory_space<vmem_shared>> -> memref<1x1x256x128xf32, #tpu.memory_space<vmem_shared>>
    %dma_wait3A_474 = tpu.memref_squeeze %dma_wait3A_473 : memref<1x1x256x128xf32, #tpu.memory_space<vmem_shared>> -> memref<256x128xf32, #tpu.memory_space<vmem_shared>>
    tpu.wait_dma2 semaphore(%dma_wait3A_468 : memref<!tpu.dma_semaphore, #tpu.memory_space<semaphore_mem>>) src(%dma_wait3A_474 : memref<256x128xf32, #tpu.memory_space<vmem_shared>>) dst(%dma_wait3A_470 : memref<256x128xf32, #tpu.memory_space<hbm>>)
    %dma_start3A_475 = arith.constant 0 : i32
    %dma_start3A_476 = arith.constant 0 : i32
    %dma_start3A_477 = tpu.memref_slice %arg8[%dma_start3A_476] : memref<3x!tpu.dma_semaphore, #tpu.memory_space<semaphore_mem>> -> memref<1x!tpu.dma_semaphore, #tpu.memory_space<semaphore_mem>>
    %dma_start3A_478 = tpu.memref_squeeze %dma_start3A_477 : memref<1x!tpu.dma_semaphore, #tpu.memory_space<semaphore_mem>> -> memref<!tpu.dma_semaphore, #tpu.memory_space<semaphore_mem>>
    %dma_start3A_479 = arith.constant 0 : i32
    %dma_start3A_480 = arith.constant 0 : i32
    %dma_start3A_481 = tpu.memref_slice %arg7[%arg1, %dma_start3A_475, %dma_start3A_479, %dma_start3A_480] : memref<16x3x256x128xf32, #tpu.memory_space<vmem_shared>> -> memref<1x1x256x128xf32, #tpu.memory_space<vmem_shared>>
    %dma_start3A_482 = tpu.memref_squeeze %dma_start3A_481 : memref<1x1x256x128xf32, #tpu.memory_space<vmem_shared>> -> memref<256x128xf32, #tpu.memory_space<vmem_shared>>
    %dma_start3A_483 = arith.constant 0 : i32
    %dma_start3A_484 = tpu.memref_slice %arg3[%add3A_28, %dma_start3A_483] : memref<131072x128xf32, #tpu.memory_space<hbm>> -> memref<256x128xf32, #tpu.memory_space<hbm>>
    tpu.enqueue_dma source(%dma_start3A_484 : memref<256x128xf32, #tpu.memory_space<hbm>>) target(%dma_start3A_482 : memref<256x128xf32, #tpu.memory_space<vmem_shared>>) target_semaphore(%dma_start3A_478 : memref<!tpu.dma_semaphore, #tpu.memory_space<semaphore_mem>>)
    %dma_wait3A_485 = arith.constant 2 : i32
    %dma_wait3A_486 = arith.constant 2 : i32
    %dma_wait3A_487 = tpu.memref_slice %arg8[%dma_wait3A_486] : memref<3x!tpu.dma_semaphore, #tpu.memory_space<semaphore_mem>> -> memref<1x!tpu.dma_semaphore, #tpu.memory_space<semaphore_mem>>
    %dma_wait3A_488 = tpu.memref_squeeze %dma_wait3A_487 : memref<1x!tpu.dma_semaphore, #tpu.memory_space<semaphore_mem>> -> memref<!tpu.dma_semaphore, #tpu.memory_space<semaphore_mem>>
    %dma_wait3A_489 = arith.constant 0 : i32
    %dma_wait3A_490 = arith.constant 0 : i32
    %dma_wait3A_491 = tpu.memref_slice %arg7[%arg1, %dma_wait3A_485, %dma_wait3A_489, %dma_wait3A_490] : memref<16x3x256x128xf32, #tpu.memory_space<vmem_shared>> -> memref<1x1x256x128xf32, #tpu.memory_space<vmem_shared>>
    %dma_wait3A_492 = tpu.memref_squeeze %dma_wait3A_491 : memref<1x1x256x128xf32, #tpu.memory_space<vmem_shared>> -> memref<256x128xf32, #tpu.memory_space<vmem_shared>>
    %dma_wait3A_493 = arith.constant 0 : i32
    %dma_wait3A_494 = tpu.memref_slice %arg3[%add3A_26, %dma_wait3A_493] : memref<131072x128xf32, #tpu.memory_space<hbm>> -> memref<256x128xf32, #tpu.memory_space<hbm>>
    tpu.wait_dma2 semaphore(%dma_wait3A_488 : memref<!tpu.dma_semaphore, #tpu.memory_space<semaphore_mem>>) src(%dma_wait3A_494 : memref<256x128xf32, #tpu.memory_space<hbm>>) dst(%dma_wait3A_492 : memref<256x128xf32, #tpu.memory_space<vmem_shared>>)
    %dma_start3A_495 = arith.constant 2 : i32
    %dma_start3A_496 = arith.constant 2 : i32
    %dma_start3A_497 = tpu.memref_slice %arg9[%dma_start3A_496] : memref<3x!tpu.dma_semaphore, #tpu.memory_space<semaphore_mem>> -> memref<1x!tpu.dma_semaphore, #tpu.memory_space<semaphore_mem>>
    %dma_start3A_498 = tpu.memref_squeeze %dma_start3A_497 : memref<1x!tpu.dma_semaphore, #tpu.memory_space<semaphore_mem>> -> memref<!tpu.dma_semaphore, #tpu.memory_space<semaphore_mem>>
    %dma_start3A_499 = arith.constant 0 : i32
    %dma_start3A_500 = tpu.memref_slice %arg4[%add3A_26, %dma_start3A_499] : memref<131072x128xf32, #tpu.memory_space<hbm>> -> memref<256x128xf32, #tpu.memory_space<hbm>>
    %dma_start3A_501 = arith.constant 0 : i32
    %dma_start3A_502 = arith.constant 0 : i32
    %dma_start3A_503 = tpu.memref_slice %arg7[%arg1, %dma_start3A_495, %dma_start3A_501, %dma_start3A_502] : memref<16x3x256x128xf32, #tpu.memory_space<vmem_shared>> -> memref<1x1x256x128xf32, #tpu.memory_space<vmem_shared>>
    %dma_start3A_504 = tpu.memref_squeeze %dma_start3A_503 : memref<1x1x256x128xf32, #tpu.memory_space<vmem_shared>> -> memref<256x128xf32, #tpu.memory_space<vmem_shared>>
    tpu.enqueue_dma source(%dma_start3A_504 : memref<256x128xf32, #tpu.memory_space<vmem_shared>>) target(%dma_start3A_500 : memref<256x128xf32, #tpu.memory_space<hbm>>) target_semaphore(%dma_start3A_498 : memref<!tpu.dma_semaphore, #tpu.memory_space<semaphore_mem>>)
    %dma_wait3A_505 = arith.constant 1 : i32
    %dma_wait3A_506 = arith.constant 1 : i32
    %dma_wait3A_507 = tpu.memref_slice %arg9[%dma_wait3A_506] : memref<3x!tpu.dma_semaphore, #tpu.memory_space<semaphore_mem>> -> memref<1x!tpu.dma_semaphore, #tpu.memory_space<semaphore_mem>>
    %dma_wait3A_508 = tpu.memref_squeeze %dma_wait3A_507 : memref<1x!tpu.dma_semaphore, #tpu.memory_space<semaphore_mem>> -> memref<!tpu.dma_semaphore, #tpu.memory_space<semaphore_mem>>
    %dma_wait3A_509 = arith.constant 0 : i32
    %dma_wait3A_510 = tpu.memref_slice %arg4[%add3A_24, %dma_wait3A_509] : memref<131072x128xf32, #tpu.memory_space<hbm>> -> memref<256x128xf32, #tpu.memory_space<hbm>>
    %dma_wait3A_511 = arith.constant 0 : i32
    %dma_wait3A_512 = arith.constant 0 : i32
    %dma_wait3A_513 = tpu.memref_slice %arg7[%arg1, %dma_wait3A_505, %dma_wait3A_511, %dma_wait3A_512] : memref<16x3x256x128xf32, #tpu.memory_space<vmem_shared>> -> memref<1x1x256x128xf32, #tpu.memory_space<vmem_shared>>
    %dma_wait3A_514 = tpu.memref_squeeze %dma_wait3A_513 : memref<1x1x256x128xf32, #tpu.memory_space<vmem_shared>> -> memref<256x128xf32, #tpu.memory_space<vmem_shared>>
    tpu.wait_dma2 semaphore(%dma_wait3A_508 : memref<!tpu.dma_semaphore, #tpu.memory_space<semaphore_mem>>) src(%dma_wait3A_514 : memref<256x128xf32, #tpu.memory_space<vmem_shared>>) dst(%dma_wait3A_510 : memref<256x128xf32, #tpu.memory_space<hbm>>)
    %dma_start3A_515 = arith.constant 1 : i32
    %dma_start3A_516 = arith.constant 1 : i32
    %dma_start3A_517 = tpu.memref_slice %arg8[%dma_start3A_516] : memref<3x!tpu.dma_semaphore, #tpu.memory_space<semaphore_mem>> -> memref<1x!tpu.dma_semaphore, #tpu.memory_space<semaphore_mem>>
    %dma_start3A_518 = tpu.memref_squeeze %dma_start3A_517 : memref<1x!tpu.dma_semaphore, #tpu.memory_space<semaphore_mem>> -> memref<!tpu.dma_semaphore, #tpu.memory_space<semaphore_mem>>
    %dma_start3A_519 = arith.constant 0 : i32
    %dma_start3A_520 = arith.constant 0 : i32
    %dma_start3A_521 = tpu.memref_slice %arg7[%arg1, %dma_start3A_515, %dma_start3A_519, %dma_start3A_520] : memref<16x3x256x128xf32, #tpu.memory_space<vmem_shared>> -> memref<1x1x256x128xf32, #tpu.memory_space<vmem_shared>>
    %dma_start3A_522 = tpu.memref_squeeze %dma_start3A_521 : memref<1x1x256x128xf32, #tpu.memory_space<vmem_shared>> -> memref<256x128xf32, #tpu.memory_space<vmem_shared>>
    %dma_start3A_523 = arith.constant 0 : i32
    %dma_start3A_524 = tpu.memref_slice %arg3[%add3A_30, %dma_start3A_523] : memref<131072x128xf32, #tpu.memory_space<hbm>> -> memref<256x128xf32, #tpu.memory_space<hbm>>
    tpu.enqueue_dma source(%dma_start3A_524 : memref<256x128xf32, #tpu.memory_space<hbm>>) target(%dma_start3A_522 : memref<256x128xf32, #tpu.memory_space<vmem_shared>>) target_semaphore(%dma_start3A_518 : memref<!tpu.dma_semaphore, #tpu.memory_space<semaphore_mem>>)
    %dma_wait3A_525 = arith.constant 0 : i32
    %dma_wait3A_526 = arith.constant 0 : i32
    %dma_wait3A_527 = tpu.memref_slice %arg8[%dma_wait3A_526] : memref<3x!tpu.dma_semaphore, #tpu.memory_space<semaphore_mem>> -> memref<1x!tpu.dma_semaphore, #tpu.memory_space<semaphore_mem>>
    %dma_wait3A_528 = tpu.memref_squeeze %dma_wait3A_527 : memref<1x!tpu.dma_semaphore, #tpu.memory_space<semaphore_mem>> -> memref<!tpu.dma_semaphore, #tpu.memory_space<semaphore_mem>>
    %dma_wait3A_529 = arith.constant 0 : i32
    %dma_wait3A_530 = arith.constant 0 : i32
    %dma_wait3A_531 = tpu.memref_slice %arg7[%arg1, %dma_wait3A_525, %dma_wait3A_529, %dma_wait3A_530] : memref<16x3x256x128xf32, #tpu.memory_space<vmem_shared>> -> memref<1x1x256x128xf32, #tpu.memory_space<vmem_shared>>
    %dma_wait3A_532 = tpu.memref_squeeze %dma_wait3A_531 : memref<1x1x256x128xf32, #tpu.memory_space<vmem_shared>> -> memref<256x128xf32, #tpu.memory_space<vmem_shared>>
    %dma_wait3A_533 = arith.constant 0 : i32
    %dma_wait3A_534 = tpu.memref_slice %arg3[%add3A_28, %dma_wait3A_533] : memref<131072x128xf32, #tpu.memory_space<hbm>> -> memref<256x128xf32, #tpu.memory_space<hbm>>
    tpu.wait_dma2 semaphore(%dma_wait3A_528 : memref<!tpu.dma_semaphore, #tpu.memory_space<semaphore_mem>>) src(%dma_wait3A_534 : memref<256x128xf32, #tpu.memory_space<hbm>>) dst(%dma_wait3A_532 : memref<256x128xf32, #tpu.memory_space<vmem_shared>>)
    %dma_start3A_535 = arith.constant 0 : i32
    %dma_start3A_536 = arith.constant 0 : i32
    %dma_start3A_537 = tpu.memref_slice %arg9[%dma_start3A_536] : memref<3x!tpu.dma_semaphore, #tpu.memory_space<semaphore_mem>> -> memref<1x!tpu.dma_semaphore, #tpu.memory_space<semaphore_mem>>
    %dma_start3A_538 = tpu.memref_squeeze %dma_start3A_537 : memref<1x!tpu.dma_semaphore, #tpu.memory_space<semaphore_mem>> -> memref<!tpu.dma_semaphore, #tpu.memory_space<semaphore_mem>>
    %dma_start3A_539 = arith.constant 0 : i32
    %dma_start3A_540 = tpu.memref_slice %arg4[%add3A_28, %dma_start3A_539] : memref<131072x128xf32, #tpu.memory_space<hbm>> -> memref<256x128xf32, #tpu.memory_space<hbm>>
    %dma_start3A_541 = arith.constant 0 : i32
    %dma_start3A_542 = arith.constant 0 : i32
    %dma_start3A_543 = tpu.memref_slice %arg7[%arg1, %dma_start3A_535, %dma_start3A_541, %dma_start3A_542] : memref<16x3x256x128xf32, #tpu.memory_space<vmem_shared>> -> memref<1x1x256x128xf32, #tpu.memory_space<vmem_shared>>
    %dma_start3A_544 = tpu.memref_squeeze %dma_start3A_543 : memref<1x1x256x128xf32, #tpu.memory_space<vmem_shared>> -> memref<256x128xf32, #tpu.memory_space<vmem_shared>>
    tpu.enqueue_dma source(%dma_start3A_544 : memref<256x128xf32, #tpu.memory_space<vmem_shared>>) target(%dma_start3A_540 : memref<256x128xf32, #tpu.memory_space<hbm>>) target_semaphore(%dma_start3A_538 : memref<!tpu.dma_semaphore, #tpu.memory_space<semaphore_mem>>)
    %dma_wait3A_545 = arith.constant 2 : i32
    %dma_wait3A_546 = arith.constant 2 : i32
    %dma_wait3A_547 = tpu.memref_slice %arg9[%dma_wait3A_546] : memref<3x!tpu.dma_semaphore, #tpu.memory_space<semaphore_mem>> -> memref<1x!tpu.dma_semaphore, #tpu.memory_space<semaphore_mem>>
    %dma_wait3A_548 = tpu.memref_squeeze %dma_wait3A_547 : memref<1x!tpu.dma_semaphore, #tpu.memory_space<semaphore_mem>> -> memref<!tpu.dma_semaphore, #tpu.memory_space<semaphore_mem>>
    %dma_wait3A_549 = arith.constant 0 : i32
    %dma_wait3A_550 = tpu.memref_slice %arg4[%add3A_26, %dma_wait3A_549] : memref<131072x128xf32, #tpu.memory_space<hbm>> -> memref<256x128xf32, #tpu.memory_space<hbm>>
    %dma_wait3A_551 = arith.constant 0 : i32
    %dma_wait3A_552 = arith.constant 0 : i32
    %dma_wait3A_553 = tpu.memref_slice %arg7[%arg1, %dma_wait3A_545, %dma_wait3A_551, %dma_wait3A_552] : memref<16x3x256x128xf32, #tpu.memory_space<vmem_shared>> -> memref<1x1x256x128xf32, #tpu.memory_space<vmem_shared>>
    %dma_wait3A_554 = tpu.memref_squeeze %dma_wait3A_553 : memref<1x1x256x128xf32, #tpu.memory_space<vmem_shared>> -> memref<256x128xf32, #tpu.memory_space<vmem_shared>>
    tpu.wait_dma2 semaphore(%dma_wait3A_548 : memref<!tpu.dma_semaphore, #tpu.memory_space<semaphore_mem>>) src(%dma_wait3A_554 : memref<256x128xf32, #tpu.memory_space<vmem_shared>>) dst(%dma_wait3A_550 : memref<256x128xf32, #tpu.memory_space<hbm>>)
    %dma_start3A_555 = arith.constant 2 : i32
    %dma_start3A_556 = arith.constant 2 : i32
    %dma_start3A_557 = tpu.memref_slice %arg8[%dma_start3A_556] : memref<3x!tpu.dma_semaphore, #tpu.memory_space<semaphore_mem>> -> memref<1x!tpu.dma_semaphore, #tpu.memory_space<semaphore_mem>>
    %dma_start3A_558 = tpu.memref_squeeze %dma_start3A_557 : memref<1x!tpu.dma_semaphore, #tpu.memory_space<semaphore_mem>> -> memref<!tpu.dma_semaphore, #tpu.memory_space<semaphore_mem>>
    %dma_start3A_559 = arith.constant 0 : i32
    %dma_start3A_560 = arith.constant 0 : i32
    %dma_start3A_561 = tpu.memref_slice %arg7[%arg1, %dma_start3A_555, %dma_start3A_559, %dma_start3A_560] : memref<16x3x256x128xf32, #tpu.memory_space<vmem_shared>> -> memref<1x1x256x128xf32, #tpu.memory_space<vmem_shared>>
    %dma_start3A_562 = tpu.memref_squeeze %dma_start3A_561 : memref<1x1x256x128xf32, #tpu.memory_space<vmem_shared>> -> memref<256x128xf32, #tpu.memory_space<vmem_shared>>
    %dma_start3A_563 = arith.constant 0 : i32
    %dma_start3A_564 = tpu.memref_slice %arg3[%add3A_32, %dma_start3A_563] : memref<131072x128xf32, #tpu.memory_space<hbm>> -> memref<256x128xf32, #tpu.memory_space<hbm>>
    tpu.enqueue_dma source(%dma_start3A_564 : memref<256x128xf32, #tpu.memory_space<hbm>>) target(%dma_start3A_562 : memref<256x128xf32, #tpu.memory_space<vmem_shared>>) target_semaphore(%dma_start3A_558 : memref<!tpu.dma_semaphore, #tpu.memory_space<semaphore_mem>>)
    %dma_wait3A_565 = arith.constant 1 : i32
    %dma_wait3A_566 = arith.constant 1 : i32
    %dma_wait3A_567 = tpu.memref_slice %arg8[%dma_wait3A_566] : memref<3x!tpu.dma_semaphore, #tpu.memory_space<semaphore_mem>> -> memref<1x!tpu.dma_semaphore, #tpu.memory_space<semaphore_mem>>
    %dma_wait3A_568 = tpu.memref_squeeze %dma_wait3A_567 : memref<1x!tpu.dma_semaphore, #tpu.memory_space<semaphore_mem>> -> memref<!tpu.dma_semaphore, #tpu.memory_space<semaphore_mem>>
    %dma_wait3A_569 = arith.constant 0 : i32
    %dma_wait3A_570 = arith.constant 0 : i32
    %dma_wait3A_571 = tpu.memref_slice %arg7[%arg1, %dma_wait3A_565, %dma_wait3A_569, %dma_wait3A_570] : memref<16x3x256x128xf32, #tpu.memory_space<vmem_shared>> -> memref<1x1x256x128xf32, #tpu.memory_space<vmem_shared>>
    %dma_wait3A_572 = tpu.memref_squeeze %dma_wait3A_571 : memref<1x1x256x128xf32, #tpu.memory_space<vmem_shared>> -> memref<256x128xf32, #tpu.memory_space<vmem_shared>>
    %dma_wait3A_573 = arith.constant 0 : i32
    %dma_wait3A_574 = tpu.memref_slice %arg3[%add3A_30, %dma_wait3A_573] : memref<131072x128xf32, #tpu.memory_space<hbm>> -> memref<256x128xf32, #tpu.memory_space<hbm>>
    tpu.wait_dma2 semaphore(%dma_wait3A_568 : memref<!tpu.dma_semaphore, #tpu.memory_space<semaphore_mem>>) src(%dma_wait3A_574 : memref<256x128xf32, #tpu.memory_space<hbm>>) dst(%dma_wait3A_572 : memref<256x128xf32, #tpu.memory_space<vmem_shared>>)
    %dma_start3A_575 = arith.constant 1 : i32
    %dma_start3A_576 = arith.constant 1 : i32
    %dma_start3A_577 = tpu.memref_slice %arg9[%dma_start3A_576] : memref<3x!tpu.dma_semaphore, #tpu.memory_space<semaphore_mem>> -> memref<1x!tpu.dma_semaphore, #tpu.memory_space<semaphore_mem>>
    %dma_start3A_578 = tpu.memref_squeeze %dma_start3A_577 : memref<1x!tpu.dma_semaphore, #tpu.memory_space<semaphore_mem>> -> memref<!tpu.dma_semaphore, #tpu.memory_space<semaphore_mem>>
    %dma_start3A_579 = arith.constant 0 : i32
    %dma_start3A_580 = tpu.memref_slice %arg4[%add3A_30, %dma_start3A_579] : memref<131072x128xf32, #tpu.memory_space<hbm>> -> memref<256x128xf32, #tpu.memory_space<hbm>>
    %dma_start3A_581 = arith.constant 0 : i32
    %dma_start3A_582 = arith.constant 0 : i32
    %dma_start3A_583 = tpu.memref_slice %arg7[%arg1, %dma_start3A_575, %dma_start3A_581, %dma_start3A_582] : memref<16x3x256x128xf32, #tpu.memory_space<vmem_shared>> -> memref<1x1x256x128xf32, #tpu.memory_space<vmem_shared>>
    %dma_start3A_584 = tpu.memref_squeeze %dma_start3A_583 : memref<1x1x256x128xf32, #tpu.memory_space<vmem_shared>> -> memref<256x128xf32, #tpu.memory_space<vmem_shared>>
    tpu.enqueue_dma source(%dma_start3A_584 : memref<256x128xf32, #tpu.memory_space<vmem_shared>>) target(%dma_start3A_580 : memref<256x128xf32, #tpu.memory_space<hbm>>) target_semaphore(%dma_start3A_578 : memref<!tpu.dma_semaphore, #tpu.memory_space<semaphore_mem>>)
    %dma_wait3A_585 = arith.constant 0 : i32
    %dma_wait3A_586 = arith.constant 0 : i32
    %dma_wait3A_587 = tpu.memref_slice %arg9[%dma_wait3A_586] : memref<3x!tpu.dma_semaphore, #tpu.memory_space<semaphore_mem>> -> memref<1x!tpu.dma_semaphore, #tpu.memory_space<semaphore_mem>>
    %dma_wait3A_588 = tpu.memref_squeeze %dma_wait3A_587 : memref<1x!tpu.dma_semaphore, #tpu.memory_space<semaphore_mem>> -> memref<!tpu.dma_semaphore, #tpu.memory_space<semaphore_mem>>
    %dma_wait3A_589 = arith.constant 0 : i32
    %dma_wait3A_590 = tpu.memref_slice %arg4[%add3A_28, %dma_wait3A_589] : memref<131072x128xf32, #tpu.memory_space<hbm>> -> memref<256x128xf32, #tpu.memory_space<hbm>>
    %dma_wait3A_591 = arith.constant 0 : i32
    %dma_wait3A_592 = arith.constant 0 : i32
    %dma_wait3A_593 = tpu.memref_slice %arg7[%arg1, %dma_wait3A_585, %dma_wait3A_591, %dma_wait3A_592] : memref<16x3x256x128xf32, #tpu.memory_space<vmem_shared>> -> memref<1x1x256x128xf32, #tpu.memory_space<vmem_shared>>
    %dma_wait3A_594 = tpu.memref_squeeze %dma_wait3A_593 : memref<1x1x256x128xf32, #tpu.memory_space<vmem_shared>> -> memref<256x128xf32, #tpu.memory_space<vmem_shared>>
    tpu.wait_dma2 semaphore(%dma_wait3A_588 : memref<!tpu.dma_semaphore, #tpu.memory_space<semaphore_mem>>) src(%dma_wait3A_594 : memref<256x128xf32, #tpu.memory_space<vmem_shared>>) dst(%dma_wait3A_590 : memref<256x128xf32, #tpu.memory_space<hbm>>)
    %dma_start3A_595 = arith.constant 0 : i32
    %dma_start3A_596 = arith.constant 0 : i32
    %dma_start3A_597 = tpu.memref_slice %arg8[%dma_start3A_596] : memref<3x!tpu.dma_semaphore, #tpu.memory_space<semaphore_mem>> -> memref<1x!tpu.dma_semaphore, #tpu.memory_space<semaphore_mem>>
    %dma_start3A_598 = tpu.memref_squeeze %dma_start3A_597 : memref<1x!tpu.dma_semaphore, #tpu.memory_space<semaphore_mem>> -> memref<!tpu.dma_semaphore, #tpu.memory_space<semaphore_mem>>
    %dma_start3A_599 = arith.constant 0 : i32
    %dma_start3A_600 = arith.constant 0 : i32
    %dma_start3A_601 = tpu.memref_slice %arg7[%arg1, %dma_start3A_595, %dma_start3A_599, %dma_start3A_600] : memref<16x3x256x128xf32, #tpu.memory_space<vmem_shared>> -> memref<1x1x256x128xf32, #tpu.memory_space<vmem_shared>>
    %dma_start3A_602 = tpu.memref_squeeze %dma_start3A_601 : memref<1x1x256x128xf32, #tpu.memory_space<vmem_shared>> -> memref<256x128xf32, #tpu.memory_space<vmem_shared>>
    %dma_start3A_603 = arith.constant 0 : i32
    %dma_start3A_604 = tpu.memref_slice %arg3[%add3A_34, %dma_start3A_603] : memref<131072x128xf32, #tpu.memory_space<hbm>> -> memref<256x128xf32, #tpu.memory_space<hbm>>
    tpu.enqueue_dma source(%dma_start3A_604 : memref<256x128xf32, #tpu.memory_space<hbm>>) target(%dma_start3A_602 : memref<256x128xf32, #tpu.memory_space<vmem_shared>>) target_semaphore(%dma_start3A_598 : memref<!tpu.dma_semaphore, #tpu.memory_space<semaphore_mem>>)
    %dma_wait3A_605 = arith.constant 2 : i32
    %dma_wait3A_606 = arith.constant 2 : i32
    %dma_wait3A_607 = tpu.memref_slice %arg8[%dma_wait3A_606] : memref<3x!tpu.dma_semaphore, #tpu.memory_space<semaphore_mem>> -> memref<1x!tpu.dma_semaphore, #tpu.memory_space<semaphore_mem>>
    %dma_wait3A_608 = tpu.memref_squeeze %dma_wait3A_607 : memref<1x!tpu.dma_semaphore, #tpu.memory_space<semaphore_mem>> -> memref<!tpu.dma_semaphore, #tpu.memory_space<semaphore_mem>>
    %dma_wait3A_609 = arith.constant 0 : i32
    %dma_wait3A_610 = arith.constant 0 : i32
    %dma_wait3A_611 = tpu.memref_slice %arg7[%arg1, %dma_wait3A_605, %dma_wait3A_609, %dma_wait3A_610] : memref<16x3x256x128xf32, #tpu.memory_space<vmem_shared>> -> memref<1x1x256x128xf32, #tpu.memory_space<vmem_shared>>
    %dma_wait3A_612 = tpu.memref_squeeze %dma_wait3A_611 : memref<1x1x256x128xf32, #tpu.memory_space<vmem_shared>> -> memref<256x128xf32, #tpu.memory_space<vmem_shared>>
    %dma_wait3A_613 = arith.constant 0 : i32
    %dma_wait3A_614 = tpu.memref_slice %arg3[%add3A_32, %dma_wait3A_613] : memref<131072x128xf32, #tpu.memory_space<hbm>> -> memref<256x128xf32, #tpu.memory_space<hbm>>
    tpu.wait_dma2 semaphore(%dma_wait3A_608 : memref<!tpu.dma_semaphore, #tpu.memory_space<semaphore_mem>>) src(%dma_wait3A_614 : memref<256x128xf32, #tpu.memory_space<hbm>>) dst(%dma_wait3A_612 : memref<256x128xf32, #tpu.memory_space<vmem_shared>>)
    %dma_start3A_615 = arith.constant 2 : i32
    %dma_start3A_616 = arith.constant 2 : i32
    %dma_start3A_617 = tpu.memref_slice %arg9[%dma_start3A_616] : memref<3x!tpu.dma_semaphore, #tpu.memory_space<semaphore_mem>> -> memref<1x!tpu.dma_semaphore, #tpu.memory_space<semaphore_mem>>
    %dma_start3A_618 = tpu.memref_squeeze %dma_start3A_617 : memref<1x!tpu.dma_semaphore, #tpu.memory_space<semaphore_mem>> -> memref<!tpu.dma_semaphore, #tpu.memory_space<semaphore_mem>>
    %dma_start3A_619 = arith.constant 0 : i32
    %dma_start3A_620 = tpu.memref_slice %arg4[%add3A_32, %dma_start3A_619] : memref<131072x128xf32, #tpu.memory_space<hbm>> -> memref<256x128xf32, #tpu.memory_space<hbm>>
    %dma_start3A_621 = arith.constant 0 : i32
    %dma_start3A_622 = arith.constant 0 : i32
    %dma_start3A_623 = tpu.memref_slice %arg7[%arg1, %dma_start3A_615, %dma_start3A_621, %dma_start3A_622] : memref<16x3x256x128xf32, #tpu.memory_space<vmem_shared>> -> memref<1x1x256x128xf32, #tpu.memory_space<vmem_shared>>
    %dma_start3A_624 = tpu.memref_squeeze %dma_start3A_623 : memref<1x1x256x128xf32, #tpu.memory_space<vmem_shared>> -> memref<256x128xf32, #tpu.memory_space<vmem_shared>>
    tpu.enqueue_dma source(%dma_start3A_624 : memref<256x128xf32, #tpu.memory_space<vmem_shared>>) target(%dma_start3A_620 : memref<256x128xf32, #tpu.memory_space<hbm>>) target_semaphore(%dma_start3A_618 : memref<!tpu.dma_semaphore, #tpu.memory_space<semaphore_mem>>)
    %dma_wait3A_625 = arith.constant 0 : i32
    %dma_wait3A_626 = arith.constant 0 : i32
    %dma_wait3A_627 = tpu.memref_slice %arg8[%dma_wait3A_626] : memref<3x!tpu.dma_semaphore, #tpu.memory_space<semaphore_mem>> -> memref<1x!tpu.dma_semaphore, #tpu.memory_space<semaphore_mem>>
    %dma_wait3A_628 = tpu.memref_squeeze %dma_wait3A_627 : memref<1x!tpu.dma_semaphore, #tpu.memory_space<semaphore_mem>> -> memref<!tpu.dma_semaphore, #tpu.memory_space<semaphore_mem>>
    %dma_wait3A_629 = arith.constant 0 : i32
    %dma_wait3A_630 = arith.constant 0 : i32
    %dma_wait3A_631 = tpu.memref_slice %arg7[%arg1, %dma_wait3A_625, %dma_wait3A_629, %dma_wait3A_630] : memref<16x3x256x128xf32, #tpu.memory_space<vmem_shared>> -> memref<1x1x256x128xf32, #tpu.memory_space<vmem_shared>>
    %dma_wait3A_632 = tpu.memref_squeeze %dma_wait3A_631 : memref<1x1x256x128xf32, #tpu.memory_space<vmem_shared>> -> memref<256x128xf32, #tpu.memory_space<vmem_shared>>
    %dma_wait3A_633 = arith.constant 0 : i32
    %dma_wait3A_634 = tpu.memref_slice %arg3[%add3A_34, %dma_wait3A_633] : memref<131072x128xf32, #tpu.memory_space<hbm>> -> memref<256x128xf32, #tpu.memory_space<hbm>>
    tpu.wait_dma2 semaphore(%dma_wait3A_628 : memref<!tpu.dma_semaphore, #tpu.memory_space<semaphore_mem>>) src(%dma_wait3A_634 : memref<256x128xf32, #tpu.memory_space<hbm>>) dst(%dma_wait3A_632 : memref<256x128xf32, #tpu.memory_space<vmem_shared>>)
    %dma_start3A_635 = arith.constant 0 : i32
    %dma_start3A_636 = arith.constant 0 : i32
    %dma_start3A_637 = tpu.memref_slice %arg9[%dma_start3A_636] : memref<3x!tpu.dma_semaphore, #tpu.memory_space<semaphore_mem>> -> memref<1x!tpu.dma_semaphore, #tpu.memory_space<semaphore_mem>>
    %dma_start3A_638 = tpu.memref_squeeze %dma_start3A_637 : memref<1x!tpu.dma_semaphore, #tpu.memory_space<semaphore_mem>> -> memref<!tpu.dma_semaphore, #tpu.memory_space<semaphore_mem>>
    %dma_start3A_639 = arith.constant 0 : i32
    %dma_start3A_640 = tpu.memref_slice %arg4[%add3A_34, %dma_start3A_639] : memref<131072x128xf32, #tpu.memory_space<hbm>> -> memref<256x128xf32, #tpu.memory_space<hbm>>
    %dma_start3A_641 = arith.constant 0 : i32
    %dma_start3A_642 = arith.constant 0 : i32
    %dma_start3A_643 = tpu.memref_slice %arg7[%arg1, %dma_start3A_635, %dma_start3A_641, %dma_start3A_642] : memref<16x3x256x128xf32, #tpu.memory_space<vmem_shared>> -> memref<1x1x256x128xf32, #tpu.memory_space<vmem_shared>>
    %dma_start3A_644 = tpu.memref_squeeze %dma_start3A_643 : memref<1x1x256x128xf32, #tpu.memory_space<vmem_shared>> -> memref<256x128xf32, #tpu.memory_space<vmem_shared>>
    tpu.enqueue_dma source(%dma_start3A_644 : memref<256x128xf32, #tpu.memory_space<vmem_shared>>) target(%dma_start3A_640 : memref<256x128xf32, #tpu.memory_space<hbm>>) target_semaphore(%dma_start3A_638 : memref<!tpu.dma_semaphore, #tpu.memory_space<semaphore_mem>>)
    %dma_wait3A_645 = arith.constant 0 : i32
    %dma_wait3A_646 = arith.constant 0 : i32
    %dma_wait3A_647 = tpu.memref_slice %arg9[%dma_wait3A_646] : memref<3x!tpu.dma_semaphore, #tpu.memory_space<semaphore_mem>> -> memref<1x!tpu.dma_semaphore, #tpu.memory_space<semaphore_mem>>
    %dma_wait3A_648 = tpu.memref_squeeze %dma_wait3A_647 : memref<1x!tpu.dma_semaphore, #tpu.memory_space<semaphore_mem>> -> memref<!tpu.dma_semaphore, #tpu.memory_space<semaphore_mem>>
    %dma_wait3A_649 = arith.constant 0 : i32
    %dma_wait3A_650 = tpu.memref_slice %arg4[%add3A_34, %dma_wait3A_649] : memref<131072x128xf32, #tpu.memory_space<hbm>> -> memref<256x128xf32, #tpu.memory_space<hbm>>
    %dma_wait3A_651 = arith.constant 0 : i32
    %dma_wait3A_652 = arith.constant 0 : i32
    %dma_wait3A_653 = tpu.memref_slice %arg7[%arg1, %dma_wait3A_645, %dma_wait3A_651, %dma_wait3A_652] : memref<16x3x256x128xf32, #tpu.memory_space<vmem_shared>> -> memref<1x1x256x128xf32, #tpu.memory_space<vmem_shared>>
    %dma_wait3A_654 = tpu.memref_squeeze %dma_wait3A_653 : memref<1x1x256x128xf32, #tpu.memory_space<vmem_shared>> -> memref<256x128xf32, #tpu.memory_space<vmem_shared>>
    tpu.wait_dma2 semaphore(%dma_wait3A_648 : memref<!tpu.dma_semaphore, #tpu.memory_space<semaphore_mem>>) src(%dma_wait3A_654 : memref<256x128xf32, #tpu.memory_space<vmem_shared>>) dst(%dma_wait3A_650 : memref<256x128xf32, #tpu.memory_space<hbm>>)
    %dma_wait3A_655 = arith.constant 1 : i32
    %dma_wait3A_656 = arith.constant 1 : i32
    %dma_wait3A_657 = tpu.memref_slice %arg9[%dma_wait3A_656] : memref<3x!tpu.dma_semaphore, #tpu.memory_space<semaphore_mem>> -> memref<1x!tpu.dma_semaphore, #tpu.memory_space<semaphore_mem>>
    %dma_wait3A_658 = tpu.memref_squeeze %dma_wait3A_657 : memref<1x!tpu.dma_semaphore, #tpu.memory_space<semaphore_mem>> -> memref<!tpu.dma_semaphore, #tpu.memory_space<semaphore_mem>>
    %dma_wait3A_659 = arith.constant 0 : i32
    %dma_wait3A_660 = tpu.memref_slice %arg4[%add3A_30, %dma_wait3A_659] : memref<131072x128xf32, #tpu.memory_space<hbm>> -> memref<256x128xf32, #tpu.memory_space<hbm>>
    %dma_wait3A_661 = arith.constant 0 : i32
    %dma_wait3A_662 = arith.constant 0 : i32
    %dma_wait3A_663 = tpu.memref_slice %arg7[%arg1, %dma_wait3A_655, %dma_wait3A_661, %dma_wait3A_662] : memref<16x3x256x128xf32, #tpu.memory_space<vmem_shared>> -> memref<1x1x256x128xf32, #tpu.memory_space<vmem_shared>>
    %dma_wait3A_664 = tpu.memref_squeeze %dma_wait3A_663 : memref<1x1x256x128xf32, #tpu.memory_space<vmem_shared>> -> memref<256x128xf32, #tpu.memory_space<vmem_shared>>
    tpu.wait_dma2 semaphore(%dma_wait3A_658 : memref<!tpu.dma_semaphore, #tpu.memory_space<semaphore_mem>>) src(%dma_wait3A_664 : memref<256x128xf32, #tpu.memory_space<vmem_shared>>) dst(%dma_wait3A_660 : memref<256x128xf32, #tpu.memory_space<hbm>>)
    %dma_wait3A_665 = arith.constant 2 : i32
    %dma_wait3A_666 = arith.constant 2 : i32
    %dma_wait3A_667 = tpu.memref_slice %arg9[%dma_wait3A_666] : memref<3x!tpu.dma_semaphore, #tpu.memory_space<semaphore_mem>> -> memref<1x!tpu.dma_semaphore, #tpu.memory_space<semaphore_mem>>
    %dma_wait3A_668 = tpu.memref_squeeze %dma_wait3A_667 : memref<1x!tpu.dma_semaphore, #tpu.memory_space<semaphore_mem>> -> memref<!tpu.dma_semaphore, #tpu.memory_space<semaphore_mem>>
    %dma_wait3A_669 = arith.constant 0 : i32
    %dma_wait3A_670 = tpu.memref_slice %arg4[%add3A_32, %dma_wait3A_669] : memref<131072x128xf32, #tpu.memory_space<hbm>> -> memref<256x128xf32, #tpu.memory_space<hbm>>
    %dma_wait3A_671 = arith.constant 0 : i32
    %dma_wait3A_672 = arith.constant 0 : i32
    %dma_wait3A_673 = tpu.memref_slice %arg7[%arg1, %dma_wait3A_665, %dma_wait3A_671, %dma_wait3A_672] : memref<16x3x256x128xf32, #tpu.memory_space<vmem_shared>> -> memref<1x1x256x128xf32, #tpu.memory_space<vmem_shared>>
    %dma_wait3A_674 = tpu.memref_squeeze %dma_wait3A_673 : memref<1x1x256x128xf32, #tpu.memory_space<vmem_shared>> -> memref<256x128xf32, #tpu.memory_space<vmem_shared>>
    tpu.wait_dma2 semaphore(%dma_wait3A_668 : memref<!tpu.dma_semaphore, #tpu.memory_space<semaphore_mem>>) src(%dma_wait3A_674 : memref<256x128xf32, #tpu.memory_space<vmem_shared>>) dst(%dma_wait3A_670 : memref<256x128xf32, #tpu.memory_space<hbm>>)
    return
  }
}

module attributes {stable_mosaic.version = 14 : i64} {
  func.func @_tc_body(%arg0: i32, %arg1: memref<4096x128xf32, #tpu.memory_space<vmem>>, %arg2: memref<4096x128xf32, #tpu.memory_space<vmem>>) attributes {dimension_semantics = [#tpu.dimension_semantics<arbitrary>], iteration_bounds = array<i64: 32>, scalar_prefetch = 0 : i64, scratch_operands = 0 : i64, tpu.core_type = #tpu.core_type<tc>, window_params = [{transform_indices = @transform_0, window_bounds = array<i64: 4096, 128>}, {transform_indices = @transform_1, window_bounds = array<i64: 4096, 128>}]} {
    %get3A = arith.constant 0 : index
    %get3A_0 = arith.constant 0 : index
    %get3A_1 = vector.load %arg1[%get3A, %get3A_0] : memref<4096x128xf32, #tpu.memory_space<vmem>>, vector<4096x128xf32>
    %swap3A = arith.constant 0 : index
    %swap3A_2 = arith.constant 0 : index
    %swap3A_3 = vector.load %arg2[%swap3A, %swap3A_2] : memref<4096x128xf32, #tpu.memory_space<vmem>>, vector<4096x128xf32>
    tpu.vector_store %arg2[%swap3A, %swap3A_2], %get3A_1 {strides = array<i32>} : memref<4096x128xf32, #tpu.memory_space<vmem>>, vector<4096x128xf32>,
    return
  }
  func.func @transform_0(%arg0: i32) -> (i32, i32) {
    %c0_i32 = arith.constant 0 : i32
    %c0_i32_0 = arith.constant 0 : i32
    return %arg0, %c0_i32 : i32, i32
  }
  func.func @transform_1(%arg0: i32) -> (i32, i32) {
    %c0_i32 = arith.constant 0 : i32
    %c0_i32_0 = arith.constant 0 : i32
    return %arg0, %c0_i32 : i32, i32
  }
}

</mosaic_0001>

<sc_bundles>
// kernel: _impl.4.cloned.1.call-start
scs
__scs_entry_jumppad:
0x0: {  	(pc) =	sbr.rel $0x88, $3  }
0x1: {  	(tag) =	ssettag $0x0;
	lr =	simm.s32 $0x1  }
0x2: {  	[smem:$0x3F9E] =	sst lr;
	_ =	strace $0xD0000000  }
0x3: {  	_ = 	snop  }
0x4: {  	_ = 	snop  }
0x5: {  	_ = 	snop  }
0x6: {  	_ = 	snop  }
0x7: {  	_ = 	snop  }
__scs_overlays_trampoline_lowered:
0x8: {  	[smem:$0x3FAD] =	sst s0  }
0x9: {  	[smem:$0x3FAE] =	sst s1  }
0xa: {  	[smem:$0x3FAF] =	sst s2  }
0xb: {  	[smem:$0x3FB0] =	sst s3  }
0xc: {  	[smem:$0x3FB1] =	sst s4  }
0xd: {  	[smem:$0x3FB2] =	sst s5  }
0xe: {  	[smem:$0x3FB3] =	sst s6  }
0xf: {  	[smem:$0x3FB4] =	sst s7  }
0x10: {  	[smem:$0x3FB5] =	sst s8  }
0x11: {  	[smem:$0x3FB6] =	sst s9;
	s0 =	simm.s32 @!p0 $0x0  }
0x12: {  	s1 =	sld [smem:$0x3F9C];
	s0 =	simm.s32 @p0 $0x1  }
0x13: {  	[smem:$0x3FB7] =	sst s0;
	s0 =	simm.s32 @!p1 $0x0  }
0x14: {  	s2 =	sld [smem:$0x3F9B];
	s0 =	simm.s32 @p1 $0x1  }
0x15: {  	[smem:$0x3FB8] =	sst s0;
	s0 =	simm.s32 @!p2 $0x0  }
0x16: {  	s3 =	sld [smem:$0x3FDB];
	s0 =	simm.s32 @p2 $0x1  }
0x17: {  	s4 =	simm.s32 $0x1BF5;
	[smem:$0x3FBA] =	sst s0  }
0x18: {  	s0 =	sld [smem:$0x3F9D];
	_ =	swait.ge [sflag:s4], $0x0  }
0x19: {  	s7 =	sld [smem:$0x3F9E]  }
0x1a: {  	s8 =	sadd.s32 $0xFFFFE003, lr  }
0x1b: {  	s9 =	sadd.s32 $0xFFFFFEF7, lr;
	s5 =	simm.s32 $0xFFFFFFFF;
	p2 =	slt.u32 s8, $0xFFFFF086  }
0x1c: {  	p1 =	slt.u32 s9, $0xF7A;
	s5 =	simm.s32 @!p2 $0x0  }
0x1d: {  	s5 =	simm.s32 @p1 $0x1;
	p0 =	seq.s32 s7, s2  }
0x1e: {  	s7 =	smul.u32 @!p0 $0xF7A, s2;
	p2 =	seq.s32 @!p0 s5, $0x0  }
0x1f: {  	s9 =	smul.u32 $0xF7A, s1;
	s8 =	simm.s32 @!p0 $0x1BF5;
	p2 =	por !p2, p0  }
0x20: {  	[sflag:s8] =	ssyncset.s32 @!p0 $0xFFFFF086;
	s6 =	sadd.s32 @!p0 s3, s7;
	s7 =	simm.s32 @!p0 $0x108  }
0x21: {  	s3 =	sadd.s32 s3, s9;
	s6 =	sadd.s32 @!p0 $0x88, s6;
	s7 =	simm.s32 @p2 $0x1082  }
0x22: {  	[simem:s7], [sflag:s8] =	dma.local @!p0 [hbm:s6], $0xF7A  }
0x23: {  	s9 =	sor.u32 $0xD0000000, s2;
	s6 =	simm.s32 $0x108;
	_ =	swait.ge @!p0 [sflag:s8], $0x0  }
0x24: {  	s3 =	sadd.s32 $0x88, s3;
	s6 =	simm.s32 @!p1 $0x1082;
	[sflag:s4] =	ssyncset.s32 $0xFFFFF086  }
0x25: {  	[simem:s6], [sflag:s4] =	dma.local [hbm:s3], $0xF7A  }
0x26: {  	[smem:$0x3F9E] =	sst s1;
	(tag) =	ssettag s2;
	_ =	strace s9  }
0x27: {  	s1 =	sld [smem:$0x3FAE]  }
0x28: {  	s2 =	sld [smem:$0x3FAF]  }
0x29: {  	s4 =	sld [smem:$0x3FB1]  }
0x2a: {  	p0 =	seq.s32 s5, $0x0;
	s5 =	sld [smem:$0x3FB2]  }
0x2b: {  	s6 =	sld [smem:$0x3FB3]  }
0x2c: {  	s7 =	sld [smem:$0x3FB4]  }
0x2d: {  	s3 =	simm.s32 $0x108;
	s8 =	sld [smem:$0x3FB5]  }
0x2e: {  	s3 =	simm.s32 @!p0 $0x1082;
	s9 =	sld [smem:$0x3FB6]  }
0x2f: {  	lr =	sadd.s32 s0, s3;
	s0 =	sld [smem:$0x3FAD]  }
0x30: {  	s3 =	sld [smem:$0x3FB0]  }
0x31: {  	[smem:$0x3FB9] =	sst s10  }
0x32: {  	s10 =	sld [smem:$0x3FB7];
	_ =	sdelay $0x3  }
0x33: {  	p0 =	seq.s32 s10, $0x1;
	s10 =	sld [smem:$0x3FB9];
	_ =	sdelay $0x3  }
0x34: {  	[smem:$0x3FB9] =	sst s10  }
0x35: {  	s10 =	sld [smem:$0x3FB8];
	_ =	sdelay $0x3  }
0x36: {  	p1 =	seq.s32 s10, $0x1;
	s10 =	sld [smem:$0x3FB9];
	_ =	sdelay $0x3  }
0x37: {  	[smem:$0x3FB9] =	sst s10  }
0x38: {  	s10 =	sld [smem:$0x3FBA]  }
0x39: {  	_ = 	snop;
	(pc) =	sbr.ind lr, $3  }
0x3a: {  	_ = 	snop  }
0x3b: {  	_ = 	snop  }
0x3c: {  	p2 =	seq.s32 s10, $0x1;
	s10 =	sld [smem:$0x3FB9]  }
0x3d: {  	_ =	shalt  }
0x3e: {  	_ =	shalt  }
0x3f: {  	_ =	shalt  }
0x40: {  	_ =	shalt  }
0x41: {  	_ =	shalt  }
0x42: {  	_ =	shalt  }
0x43: {  	_ =	shalt  }
0x44: {  	_ =	shalt  }
0x45: {  	_ =	shalt  }
0x46: {  	_ =	shalt  }
0x47: {  	_ =	shalt  }
0x48: {  	_ =	shalt  }
0x49: {  	_ =	shalt  }
0x4a: {  	_ =	shalt  }
0x4b: {  	_ =	shalt  }
0x4c: {  	_ =	shalt  }
0x4d: {  	_ =	shalt  }
0x4e: {  	_ =	shalt  }
0x4f: {  	_ =	shalt  }
0x50: {  	_ =	shalt  }
0x51: {  	_ =	shalt  }
0x52: {  	_ =	shalt  }
0x53: {  	_ =	shalt  }
0x54: {  	_ =	shalt  }
0x55: {  	_ =	shalt  }
0x56: {  	_ =	shalt  }
0x57: {  	_ =	shalt  }
0x58: {  	_ =	shalt  }
0x59: {  	_ =	shalt  }
0x5a: {  	_ =	shalt  }
0x5b: {  	_ =	shalt  }
0x5c: {  	_ =	shalt  }
0x5d: {  	_ =	shalt  }
0x5e: {  	_ =	shalt  }
0x5f: {  	_ =	shalt  }
0x60: {  	_ =	shalt  }
0x61: {  	_ =	shalt  }
0x62: {  	_ =	shalt  }
0x63: {  	_ =	shalt  }
0x64: {  	_ =	shalt  }
0x65: {  	_ =	shalt  }
0x66: {  	_ =	shalt  }
0x67: {  	_ =	shalt  }
0x68: {  	_ =	shalt  }
0x69: {  	_ =	shalt  }
0x6a: {  	_ =	shalt  }
0x6b: {  	_ =	shalt  }
0x6c: {  	_ =	shalt  }
0x6d: {  	_ =	shalt  }
0x6e: {  	_ =	shalt  }
0x6f: {  	_ =	shalt  }
0x70: {  	_ =	shalt  }
0x71: {  	_ =	shalt  }
0x72: {  	_ =	shalt  }
0x73: {  	_ =	shalt  }
0x74: {  	_ =	shalt  }
0x75: {  	_ =	shalt  }
0x76: {  	_ =	shalt  }
0x77: {  	_ =	shalt  }
0x78: {  	_ =	shalt  }
0x79: {  	_ =	shalt  }
0x7a: {  	_ =	shalt  }
0x7b: {  	_ =	shalt  }
0x7c: {  	_ =	shalt  }
0x7d: {  	_ =	shalt  }
0x7e: {  	_ =	shalt  }
0x7f: {  	_ =	shalt  }
0x80: {  	_ =	shalt  }
0x81: {  	_ =	shalt  }
0x82: {  	_ =	shalt  }
0x83: {  	_ =	shalt  }
0x84: {  	_ =	shalt  }
0x85: {  	_ =	shalt  }
0x86: {  	_ =	shalt  }
0x87: {  	_ =	shalt  }
.Lfunc_end0:
.L_simem_size_0:
called_computation_lowered:
.L_overlay_start_0:
0x88: {  	s2 =	sld [smem:$0x3FD9]  }
0x89: {  	s3 =	sld [smem:$0x3FFE];
	_ =	sdelay $0x1  }
0x8a: {  	s1 =	srdreg.scid  }
0x8b: {  	s0 =	sand.u32 $0x1, s1  }
0x8c: {  	s15 =	sshll.u32 s0, $0xA;
	s2 =	sadd.s32 s3, s2  }
0x8d: {  	s2 =	sadd.s32 s2, s15  }
0x8e: {  	[smem:$0x3FC5] =	sst s2  }
0x8f: {  	_ = 	snop  }
0x90: {  	s2 =	sld [smem:$0x3FD0];
	_ =	sdelay $0x1  }
0x91: {  	s16 =	sld [smem:$0x3FC9]  }
0x92: {  	s5 =	simm.s32 $0xA;
	s6 =	simm.s32 $0x10;
	s4 =	sld [smem:$0x3FC7]  }
0x93: {  	[smem:s6], [sflag:s5] =	dma.local [hbm:s2], $0x1  }
0x94: {  	_ =	swait.eq [sflag:s5], $0x1  }
0x95: {  	[sflag:s5] =	ssyncset.done $0x0  }
0x96: {  	s17 =	sld [smem:$0x11];
	[sflag:s5] =	ssyncadd.s32 $0xFFFFFFFF  }
0x97: {  	s18 =	sld [smem:$0x12];
	(tm) =	ssettm $0x1  }
0x98: {  	s19 =	sld [smem:$0x3FFB];
	_ =	sdelay $0x3  }
0x99: {  	_ =	strace s19  }
0x9a: {  	s6 =	sld [smem:$0x3FFC];
	_ =	sdelay $0x3  }
0x9b: {  	_ =	strace s6  }
0x9c: {  	s6 =	sld [smem:$0x3FFD];
	_ =	sdelay $0x3  }
0x9d: {  	_ =	strace s6  }
0x9e: {  	_ =	strace $0x8FFFFFFF  }
0x9f: {  	s20 =	sld [smem:$0x3FDB];
	_ =	sdelay $0x1  }
0xa0: {  	s7 =	simm.s32 $_scs_section_size  }
0xa1: {  	s8 =	simm.s32 $_size__tile_overlayer_lowered;
	s9 =	simm.s32 $_tile_overlayer_lowered  }
0xa2: {  	s23 =	simm.s32 $0x1BFF;
	s22 =	sshll.u32 s9, $0x1;
	s6 =	sadd.s32 s7, s20  }
0xa3: {  	s10 =	simm.s32 $0x0;
	s21 =	sshll.u32 s8, $0x1;
	s8 =	sadd.s32 s22, s6  }
0xa4: {  	[timem:s10], [sflag:s23] =	dma.local [hbm:s8], s21  }
0xa5: {  	_ =	swait.ge [sflag:s23], s21  }
0xa6: {  	s7 =	ssub.s32 $0x0, s21;
	[sflag:s23] =	ssyncset.done $0x0  }
0xa7: {  	[sflag:s23] =	ssyncadd.s32 s7;
	_ =	sdelay $0x1  }
0xa8: {  	s24 =	simm.s32 $0x1B8B  }
0xa9: {  	_ =	swait.ge [sflag:s24], $0x1  }
0xaa: {  	[sflag:s24] =	ssyncset.done $0x0  }
0xab: {  	s25 =	simm.s32 $0x1B8E;
	[sflag:s24] =	ssyncadd.s32 $0xFFFFFFFF  }
0xac: {  	s26 =	simm.s32 $execute0_lowered;
	[smem:$0x3FD2] =	sst s25  }
0xad: {  	s7 =	sshll.u32 s26, $0x1;
	_ =	strace $0x80000046;
	[dreg:$0x1] =	wrdreg $0xFFFFFFFF  }
0xae: {  	s28 =	simm.s32 $_size_execute0_lowered;
	s6 =	sadd.s32 s6, s7;
	[dreg:$0x0] =	wrdreg $0x0  }
0xaf: {  	s7 =	sshll.u32 s28, $0x1;
	[dreg:$0x2] =	wrdreg s6  }
0xb0: {  	[dreg:$0x3] =	wrdreg s7  }
0xb1: {  	[dreg:$0x4] =	wrdreg $0xC0  }
0xb2: {  	_ =	task [dreg:s10], $0x5FFFF  }
0xb3: {  	[dreg:$0x1] =	wrdreg $0xFFFFFFFF  }
0xb4: {  	[dreg:$0x0] =	wrdreg $0x60  }
0xb5: {  	[dreg:$0x2] =	wrdreg s16  }
0xb6: {  	[dreg:$0x3] =	wrdreg s4  }
0xb7: {  	[dreg:$0x4] =	wrdreg s17  }
0xb8: {  	[dreg:$0x5] =	wrdreg s18  }
0xb9: {  	[dreg:$0x6] =	wrdreg $0x8000  }
0xba: {  	[dreg:$0x7] =	wrdreg $0x9  }
0xbb: {  	_ =	task.clear_ibuf [dreg:s10], $0x8FFFF;
	_ =	strace $0x90000046  }
0xbc: {  	s29 =	simm.s32 $0x9;
	_ =	strace $0x80000048  }
0xbd: {  	_ =	swait.ge [sflag:s29], $0x1  }
0xbe: {  	[sflag:s29] =	ssyncadd.s32 $0xFFFFFFFF  }
0xbf: {  	_ =	strace $0x90000048  }
0xc0: {  	_ =	sfence  }
0xc1: {  	s30 =	sld [smem:$0x0];
	_ =	sdelay $0x2  }
0xc2: {  	s31 =	sshll.u32 s1, $0xD;
	s1 =	sshrl.u32 s1, $0x2  }
0xc3: {  	s3 =	sand.u32 $0x4000, s31;
	s1 =	sadd.s32 s1, s30  }
0xc4: {  	s0 =	sor.u32 s3, s0;
	s1 =	sshll.u32 s1, $0x11  }
0xc5: {  	s0 =	sor.u32 s1, s0  }
0xc6: {  	s0 =	sadd.s32 $0x8F2B, s0  }
0xc7: {  	[sflag:s0] =	ssyncadd.remote.s32 $0x1  }
0xc8: {  	_ =	sfence.sel $0xFFFF  }
0xc9: {  	[dreg:$0x0] =	wrdreg $0xFFFFFFFF;
	(pc) =	sbr.abs _section_cstart, $3  }
0xca: {  	[dreg:$0x1] =	wrdreg $0xFFFFFFFF  }
0xcb: {  	_ =	task.clear_ibuf [dreg:s10], $0x2FFFF;
	_ =	strace $0x9FFFFFFF  }
0xcc: {  	(tm) =	ssettm $0x7FFFFFFF  }
0xcd: {  	_ =	shalt  }
tec
execute0_lowered:
.L_overlay_start_1:
0x0: {  	(tag) =	ssettag $0x1  }
0x1: {  	s3 =	rddreg [dreg:$0x1]  }
0x2: {  	s2 =	rddreg [dreg:$0x2]  }
0x3: {  	s0 =	rddreg [dreg:$0x4]  }
0x4: {  	s1 =	simm.s32 $0x0;
	s4 =	srdreg.scid;
	s6 =	stileid.u32  }
0x5: {  	s4 =	sand.u32 $0x1, s4;
	s5 =	sshll.u32 s6, $0x1;
	s6 =	smul.u32 $0x60000, s6  }
0x6: {  	[smem:$0x7FF] =	sst s1;
	s7 =	ssub.s32 $0x2, s4;
	s8 =	sor.u32 s4, s5  }
0x7: {  	s20 =	sshrl.u32 s7, $0x1;
	s21 =	sshrl.u32 s6, $0x2;
	s6 =	sshll.u32 s8, $0x10  }
0x8: {  	p0 =	sne.s32 s8, $0x0;
	s7 =	ssub.s32 s7, s20;
	s22 =	sor.u32 $0x1000, s6  }
0x9: {  	s9 =	sadd.s32 s21, s0;
	s24 =	sor.u32 $0x2000, s6;
	s23 =	sadd.s32 s3, s22  }
0xa: {  	s25 =	sor.u32 $0x3000, s6;
	s10 =	sadd.s32 s3, s24;
	[dreg:$0x6] =	wrdreg s23  }
0xb: {  	s11 =	sor.u32 $0x4000, s6;
	s0 =	sadd.s32 s2, s22;
	[dreg:$0x7] =	wrdreg s10  }
0xc: {  	s12 =	sor.u32 $0x5000, s6;
	s26 =	sadd.s32 s3, s25;
	[dreg:$0x8] =	wrdreg s0  }
0xd: {  	s15 =	sor.u32 $0x6000, s6;
	s13 =	sadd.s32 s3, s11;
	[dreg:$0x9] =	wrdreg s26  }
0xe: {  	s16 =	sor.u32 $0x7000, s6;
	s5 =	sadd.s32 s2, s25;
	[dreg:$0xb] =	wrdreg s13  }
0xf: {  	s19 =	sor.u32 $0x8000, s6;
	s14 =	sadd.s32 s3, s12;
	[dreg:$0xc] =	wrdreg s5  }
0x10: {  	s20 =	sor.u32 $0x9000, s6;
	s17 =	sadd.s32 s3, s15;
	[dreg:$0xd] =	wrdreg s14  }
0x11: {  	s31 =	sadd.s32 s3, s6;
	s4 =	sadd.s32 s2, s12;
	[dreg:$0xf] =	wrdreg s17  }
0x12: {  	s30 =	sadd.s32 s2, s6;
	s18 =	sadd.s32 s3, s16;
	[dreg:$0x10] =	wrdreg s4  }
0x13: {  	s21 =	sadd.s32 s3, s19;
	s22 =	sadd.s32 s3, s20;
	[dreg:$0x11] =	wrdreg s18  }
0x14: {  	s12 =	sor.u32 $0xD000, s6;
	s10 =	sadd.s32 s2, s24;
	[dreg:$0x13] =	wrdreg s21  }
0x15: {  	s0 =	sadd.s32 s2, s11;
	s5 =	sadd.s32 s2, s16;
	[dreg:$0x15] =	wrdreg s22  }
0x16: {  	s23 =	sadd.s32 s2, s20;
	s24 =	sor.u32 $0xA000, s6;
	s26 =	sor.u32 $0xB000, s6  }
0x17: {  	s28 =	sadd.s32 s3, s12;
	s29 =	sadd.s32 s2, s12;
	[dreg:$0xa] =	wrdreg s10  }
0x18: {  	s13 =	sor.u32 $0xE000, s6;
	s14 =	sor.u32 $0xF000, s6;
	[dreg:$0xe] =	wrdreg s0  }
0x19: {  	s16 =	sadd.s32 $0x8000, s9;
	s17 =	sadd.s32 $0x10000, s9;
	[dreg:$0x14] =	wrdreg s5  }
0x1a: {  	s12 =	simm.s32 $0x1;
	s0 =	sadd.s32 s2, s15;
	[dreg:$0x17] =	wrdreg s23  }
0x1b: {  	s25 =	sadd.s32 s3, s24;
	s5 =	sadd.s32 s3, s26;
	s10 =	sor.u32 $0xC000, s6  }
0x1c: {  	s15 =	rddreg [dreg:$0x3];
	s4 =	sadd.s32 s2, s13;
	s6 =	smax.u32 s7, $0x1  }
0x1d: {  	s7 =	sshrl.u32 s16, $0x3;
	s8 =	sshrl.u32 s17, $0x3;
	[dreg:$0x12] =	wrdreg s0  }
0x1e: {  	s16 =	simm.s32 $0x6;
	s0 =	sadd.s32 s2, s19;
	[dreg:$0x18] =	wrdreg s25  }
0x1f: {  	[dreg:$0x1a] =	wrdreg s5;
	s11 =	sadd.s32 s3, s10;
	s5 =	sadd.s32 s2, s14  }
0x20: {  	s18 =	sadd.s32 $0x10, s15;
	s19 =	sadd.s32 $0x20, s15;
	[dreg:$0x16] =	wrdreg s0  }
0x21: {  	s20 =	sadd.s32 $0x30, s15;
	s0 =	sadd.s32 s2, s24;
	[dreg:$0x1c] =	wrdreg s11  }
0x22: {  	s21 =	sadd.s32 $0x40, s15;
	[dreg:$0x19] =	wrdreg s0;
	s0 =	sadd.s32 s2, s26  }
0x23: {  	s22 =	sadd.s32 $0x50, s15;
	s23 =	sadd.s32 $0x60, s15;
	[dreg:$0x1b] =	wrdreg s0  }
0x24: {  	s25 =	sadd.s32 $0x70, s15;
	_ =	strace $0x80000047;
	[dreg:$0x1d] =	wrdreg s18  }
0x25: {  	s15 =	simm.s32 $0x5;
	s24 =	smov.u32 s9;
	[dreg:$0x1e] =	wrdreg s19  }
.Ltmp0:
0x26: {  	s9 =	simm.s32 $0x7;
	[dreg:$0x1f] =	wrdreg s20;
	(pc) =	sbr.rel .LBB2_1-.Ltmp0, $4  }
0x27: {  	s11 =	simm.s32 $0x400;
	s26 =	sadd.s32 s2, s10;
	[smem:$0x7FA] =	sst s21  }
0x28: {  	s10 =	simm.s32 $0x80;
	s2 =	simm.s32 $0x3;
	[smem:$0x7FB] =	sst s22  }
0x29: {  	s0 =	sadd.s32 s3, s13;
	s3 =	sadd.s32 s3, s14;
	[smem:$0x7FC] =	sst s23  }
0x2a: {  	v0 =	vimm.s32 $0xFFFFFFFF;
	vm0 =	vmmov $0xf;
	s13 =	simm.s32 $0x2;
	s14 =	simm.s32 $0x4;
	[smem:$0x7FD] =	sst s25  }
.LBB2_3:
0x2b: {  	s17 =	stileid.u32  }
0x2c: {  	s23 =	sshll.u32 s17, $0x6  }
0x2d: {  	s17 =	sshrl.u32 s24, $0x3;
	s18 =	sor.u32 $0x1C01, s23  }
0x2e: {  	[spmem:s17], [sflag:s18] =	dma.local [hbm:s31], $0x1000  }
0x2f: {  	s21 =	sor.u32 $0x1C02, s23;
	s19 =	rddreg [dreg:$0x6]  }
0x30: {  	[spmem:s7], [sflag:s21] =	dma.local [hbm:s19], $0x1000  }
0x31: {  	_ =	swait.ge [sflag:s12], $0x1000  }
0x32: {  	[sflag:s12] =	ssyncset.done $0x0  }
0x33: {  	s19 =	sor.u32 $0x1C04, s23;
	[sflag:s12] =	ssyncadd.s32 $0xFFFFF000  }
0x34: {  	[hbm:s30], [sflag:s19] =	dma.local [spmem:s17], $0x1000  }
0x35: {  	s20 =	sor.u32 $0x1C03, s23;
	s22 =	rddreg [dreg:$0x7]  }
0x36: {  	[spmem:s8], [sflag:s20] =	dma.local [hbm:s22], $0x1000  }
0x37: {  	_ =	swait.ge [sflag:s13], $0x1000  }
0x38: {  	[sflag:s13] =	ssyncset.done $0x0  }
0x39: {  	s22 =	sor.u32 $0x1C05, s23;
	s25 =	rddreg [dreg:$0x8];
	[sflag:s13] =	ssyncadd.s32 $0xFFFFF000  }
0x3a: {  	[hbm:s25], [sflag:s22] =	dma.local [spmem:s7], $0x1000  }
0x3b: {  	_ =	swait.ge [sflag:s14], $0x1000  }
0x3c: {  	[sflag:s14] =	ssyncset.done $0x0  }
0x3d: {  	s25 =	rddreg [dreg:$0x9];
	[sflag:s14] =	ssyncadd.s32 $0xFFFFF000  }
0x3e: {  	[spmem:s17], [sflag:s18] =	dma.local [hbm:s25], $0x1000  }
0x3f: {  	_ =	swait.ge [sflag:s2], $0x1000  }
0x40: {  	[sflag:s2] =	ssyncset.done $0x0  }
0x41: {  	s23 =	sor.u32 $0x1C06, s23;
	s25 =	rddreg [dreg:$0xa];
	[sflag:s2] =	ssyncadd.s32 $0xFFFFF000  }
0x42: {  	[hbm:s25], [sflag:s23] =	dma.local [spmem:s8], $0x1000  }
0x43: {  	_ =	swait.ge [sflag:s15], $0x1000  }
0x44: {  	[sflag:s15] =	ssyncset.done $0x0  }
0x45: {  	s25 =	rddreg [dreg:$0xb];
	[sflag:s15] =	ssyncadd.s32 $0xFFFFF000  }
0x46: {  	[spmem:s7], [sflag:s21] =	dma.local [hbm:s25], $0x1000  }
0x47: {  	_ =	swait.ge [sflag:s12], $0x1000  }
0x48: {  	[sflag:s12] =	ssyncset.done $0x0  }
0x49: {  	s25 =	rddreg [dreg:$0xc];
	[sflag:s12] =	ssyncadd.s32 $0xFFFFF000  }
0x4a: {  	[hbm:s25], [sflag:s19] =	dma.local [spmem:s17], $0x1000  }
0x4b: {  	_ =	swait.ge [sflag:s16], $0x1000  }
0x4c: {  	[sflag:s16] =	ssyncset.done $0x0  }
0x4d: {  	s25 =	rddreg [dreg:$0xd];
	[sflag:s16] =	ssyncadd.s32 $0xFFFFF000  }
0x4e: {  	[spmem:s8], [sflag:s20] =	dma.local [hbm:s25], $0x1000  }
0x4f: {  	_ =	swait.ge [sflag:s13], $0x1000  }
0x50: {  	[sflag:s13] =	ssyncset.done $0x0  }
0x51: {  	s25 =	rddreg [dreg:$0xe];
	[sflag:s13] =	ssyncadd.s32 $0xFFFFF000  }
0x52: {  	[hbm:s25], [sflag:s22] =	dma.local [spmem:s7], $0x1000  }
0x53: {  	_ =	swait.ge [sflag:s14], $0x1000  }
0x54: {  	[sflag:s14] =	ssyncset.done $0x0  }
0x55: {  	s25 =	rddreg [dreg:$0xf];
	[sflag:s14] =	ssyncadd.s32 $0xFFFFF000  }
0x56: {  	[spmem:s17], [sflag:s18] =	dma.local [hbm:s25], $0x1000  }
0x57: {  	_ =	swait.ge [sflag:s2], $0x1000  }
0x58: {  	[sflag:s2] =	ssyncset.done $0x0  }
0x59: {  	s25 =	rddreg [dreg:$0x10];
	[sflag:s2] =	ssyncadd.s32 $0xFFFFF000  }
0x5a: {  	[hbm:s25], [sflag:s23] =	dma.local [spmem:s8], $0x1000  }
0x5b: {  	_ =	swait.ge [sflag:s15], $0x1000  }
0x5c: {  	[sflag:s15] =	ssyncset.done $0x0  }
0x5d: {  	s25 =	rddreg [dreg:$0x11];
	[sflag:s15] =	ssyncadd.s32 $0xFFFFF000  }
0x5e: {  	[spmem:s7], [sflag:s21] =	dma.local [hbm:s25], $0x1000  }
0x5f: {  	_ =	swait.ge [sflag:s12], $0x1000  }
0x60: {  	[sflag:s12] =	ssyncset.done $0x0  }
0x61: {  	s25 =	rddreg [dreg:$0x12];
	[sflag:s12] =	ssyncadd.s32 $0xFFFFF000  }
0x62: {  	[hbm:s25], [sflag:s19] =	dma.local [spmem:s17], $0x1000  }
0x63: {  	_ =	swait.ge [sflag:s16], $0x1000  }
0x64: {  	[sflag:s16] =	ssyncset.done $0x0  }
0x65: {  	s25 =	rddreg [dreg:$0x13];
	[sflag:s16] =	ssyncadd.s32 $0xFFFFF000  }
0x66: {  	[spmem:s8], [sflag:s20] =	dma.local [hbm:s25], $0x1000  }
0x67: {  	_ =	swait.ge [sflag:s13], $0x1000  }
0x68: {  	[sflag:s13] =	ssyncset.done $0x0  }
0x69: {  	s25 =	rddreg [dreg:$0x14];
	[sflag:s13] =	ssyncadd.s32 $0xFFFFF000  }
0x6a: {  	[hbm:s25], [sflag:s22] =	dma.local [spmem:s7], $0x1000  }
0x6b: {  	_ =	swait.ge [sflag:s14], $0x1000  }
0x6c: {  	[sflag:s14] =	ssyncset.done $0x0  }
0x6d: {  	s25 =	rddreg [dreg:$0x15];
	[sflag:s14] =	ssyncadd.s32 $0xFFFFF000  }
0x6e: {  	[spmem:s17], [sflag:s18] =	dma.local [hbm:s25], $0x1000  }
0x6f: {  	_ =	swait.ge [sflag:s2], $0x1000  }
0x70: {  	[sflag:s2] =	ssyncset.done $0x0  }
0x71: {  	s25 =	rddreg [dreg:$0x16];
	[sflag:s2] =	ssyncadd.s32 $0xFFFFF000  }
0x72: {  	[hbm:s25], [sflag:s23] =	dma.local [spmem:s8], $0x1000  }
0x73: {  	_ =	swait.ge [sflag:s15], $0x1000  }
0x74: {  	[sflag:s15] =	ssyncset.done $0x0  }
0x75: {  	s25 =	rddreg [dreg:$0x18];
	[sflag:s15] =	ssyncadd.s32 $0xFFFFF000  }
0x76: {  	[spmem:s7], [sflag:s21] =	dma.local [hbm:s25], $0x1000  }
0x77: {  	_ =	swait.ge [sflag:s12], $0x1000  }
0x78: {  	[sflag:s12] =	ssyncset.done $0x0  }
0x79: {  	s25 =	rddreg [dreg:$0x17];
	[sflag:s12] =	ssyncadd.s32 $0xFFFFF000  }
0x7a: {  	[hbm:s25], [sflag:s19] =	dma.local [spmem:s17], $0x1000  }
0x7b: {  	_ =	swait.ge [sflag:s16], $0x1000  }
0x7c: {  	[sflag:s16] =	ssyncset.done $0x0  }
0x7d: {  	s25 =	rddreg [dreg:$0x1a];
	[sflag:s16] =	ssyncadd.s32 $0xFFFFF000  }
0x7e: {  	[spmem:s8], [sflag:s20] =	dma.local [hbm:s25], $0x1000  }
0x7f: {  	_ =	swait.ge [sflag:s13], $0x1000  }
0x80: {  	[sflag:s13] =	ssyncset.done $0x0  }
0x81: {  	s25 =	rddreg [dreg:$0x19];
	[sflag:s13] =	ssyncadd.s32 $0xFFFFF000  }
0x82: {  	[hbm:s25], [sflag:s22] =	dma.local [spmem:s7], $0x1000  }
0x83: {  	_ =	swait.ge [sflag:s14], $0x1000  }
0x84: {  	[sflag:s14] =	ssyncset.done $0x0  }
0x85: {  	s25 =	rddreg [dreg:$0x1c];
	[sflag:s14] =	ssyncadd.s32 $0xFFFFF000  }
0x86: {  	[spmem:s17], [sflag:s18] =	dma.local [hbm:s25], $0x1000  }
0x87: {  	_ =	swait.ge [sflag:s2], $0x1000  }
0x88: {  	[sflag:s2] =	ssyncset.done $0x0  }
0x89: {  	s25 =	rddreg [dreg:$0x1b];
	[sflag:s2] =	ssyncadd.s32 $0xFFFFF000  }
0x8a: {  	[hbm:s25], [sflag:s23] =	dma.local [spmem:s8], $0x1000  }
0x8b: {  	_ =	swait.ge [sflag:s15], $0x1000  }
0x8c: {  	[sflag:s15] =	ssyncset.done $0x0  }
0x8d: {  	[sflag:s15] =	ssyncadd.s32 $0xFFFFF000  }
0x8e: {  	[spmem:s7], [sflag:s21] =	dma.local [hbm:s28], $0x1000  }
0x8f: {  	_ =	swait.ge [sflag:s12], $0x1000  }
0x90: {  	[sflag:s12] =	ssyncset.done $0x0  }
0x91: {  	[sflag:s12] =	ssyncadd.s32 $0xFFFFF000  }
0x92: {  	[hbm:s26], [sflag:s19] =	dma.local [spmem:s17], $0x1000  }
0x93: {  	_ =	swait.ge [sflag:s16], $0x1000  }
0x94: {  	[sflag:s16] =	ssyncset.done $0x0  }
0x95: {  	[sflag:s16] =	ssyncadd.s32 $0xFFFFF000  }
0x96: {  	[spmem:s8], [sflag:s20] =	dma.local [hbm:s0], $0x1000  }
0x97: {  	_ =	swait.ge [sflag:s13], $0x1000  }
0x98: {  	[sflag:s13] =	ssyncset.done $0x0  }
0x99: {  	[sflag:s13] =	ssyncadd.s32 $0xFFFFF000  }
0x9a: {  	[hbm:s29], [sflag:s22] =	dma.local [spmem:s7], $0x1000  }
0x9b: {  	_ =	swait.ge [sflag:s14], $0x1000  }
0x9c: {  	[sflag:s14] =	ssyncset.done $0x0  }
0x9d: {  	[sflag:s14] =	ssyncadd.s32 $0xFFFFF000  }
0x9e: {  	[spmem:s17], [sflag:s18] =	dma.local [hbm:s3], $0x1000  }
0x9f: {  	_ =	swait.ge [sflag:s2], $0x1000  }
0xa0: {  	[sflag:s2] =	ssyncset.done $0x0  }
0xa1: {  	[sflag:s2] =	ssyncadd.s32 $0xFFFFF000  }
0xa2: {  	[hbm:s4], [sflag:s23] =	dma.local [spmem:s8], $0x1000  }
0xa3: {  	_ =	swait.ge [sflag:s12], $0x1000  }
0xa4: {  	[sflag:s12] =	ssyncset.done $0x0  }
0xa5: {  	[sflag:s12] =	ssyncadd.s32 $0xFFFFF000  }
0xa6: {  	[hbm:s5], [sflag:s19] =	dma.local [spmem:s17], $0x1000  }
0xa7: {  	_ =	swait.ge [sflag:s14], $0x1000  }
0xa8: {  	[sflag:s14] =	ssyncset.done $0x0  }
0xa9: {  	s6 =	sadd.s32 $0xFFFFFFFF, s6;
	[sflag:s14] =	ssyncadd.s32 $0xFFFFF000  }
0xaa: {  	p1 =	sne.s32 s6, $0x0;
	_ =	swait.ge [sflag:s15], $0x1000  }
.Ltmp1:
0xab: {  	[sflag:s15] =	ssyncset.done $0x0;
	(pc) =	sbr.rel @!p1 .LBB2_4-.Ltmp1, $4  }
0xac: {  	[sflag:s15] =	ssyncadd.s32 $0xFFFFF000  }
0xad: {  	_ =	swait.ge [sflag:s16], $0x1000  }
0xae: {  	[sflag:s16] =	ssyncset.done $0x0  }
0xaf: {  	[sflag:s16] =	ssyncadd.s32 $0xFFFFF000  }
.LBB2_1:
.Ltmp2:
0xb0: {  	(pc) =	sbr.rel @p0 .LBB2_3-.Ltmp2, $1  }
0xb1: {  	_ =	sdelay $0x3  }
0xb2: {  	s17 =	rddreg [dreg:$0x0]  }
0xb3: {  	[tilespmem:s1], [sflag:$0x7] =	stream.linear.gather [hbm4b:s17+s1], $0x400, $0x38;
	[tilespmem:$0x18800] =	vst v63  }
0xb4: {  	_ =	swait.ge [sflag:s9], $0x400  }
0xb5: {  	[sflag:s9] =	ssyncset.done $0x0  }
0xb6: {  	[sflag:s9] =	ssyncadd.s32 $0xFFFFFC00  }
0xb7: {  	[tilespmem:$0x400] =	vst v0  }
0xb8: {  	[tilespmem:$0x410] =	vst v0  }
0xb9: {  	[tilespmem:$0x420] =	vst v0  }
0xba: {  	[tilespmem:$0x430] =	vst v0  }
0xbb: {  	[tilespmem:$0x440] =	vst v0  }
0xbc: {  	[tilespmem:$0x450] =	vst v0  }
0xbd: {  	[tilespmem:$0x460] =	vst v0  }
0xbe: {  	[tilespmem:$0x470] =	vst v0  }
0xbf: {  	[tilespmem:$0x480] =	vst v0  }
0xc0: {  	[tilespmem:$0x490] =	vst v0  }
0xc1: {  	[tilespmem:$0x4A0] =	vst v0  }
0xc2: {  	[tilespmem:$0x4B0] =	vst v0  }
0xc3: {  	[tilespmem:$0x4C0] =	vst v0  }
0xc4: {  	[tilespmem:$0x4D0] =	vst v0  }
0xc5: {  	[tilespmem:$0x4E0] =	vst v0  }
0xc6: {  	[tilespmem:$0x4F0] =	vst v0  }
0xc7: {  	[tilespmem:$0x500] =	vst v0  }
0xc8: {  	[tilespmem:$0x510] =	vst v0  }
0xc9: {  	[tilespmem:$0x520] =	vst v0  }
0xca: {  	[tilespmem:$0x530] =	vst v0  }
0xcb: {  	[tilespmem:$0x540] =	vst v0  }
0xcc: {  	[tilespmem:$0x550] =	vst v0  }
0xcd: {  	[tilespmem:$0x560] =	vst v0  }
0xce: {  	[tilespmem:$0x570] =	vst v0  }
0xcf: {  	[tilespmem:$0x580] =	vst v0  }
0xd0: {  	[tilespmem:$0x590] =	vst v0  }
0xd1: {  	[tilespmem:$0x5A0] =	vst v0  }
0xd2: {  	[tilespmem:$0x5B0] =	vst v0  }
0xd3: {  	[tilespmem:$0x5C0] =	vst v0  }
0xd4: {  	[tilespmem:$0x5D0] =	vst v0  }
0xd5: {  	[tilespmem:$0x5E0] =	vst v0  }
0xd6: {  	[tilespmem:$0x5F0] =	vst v0  }
0xd7: {  	[tilespmem:$0x600] =	vst v0  }
0xd8: {  	[tilespmem:$0x610] =	vst v0  }
0xd9: {  	[tilespmem:$0x620] =	vst v0  }
0xda: {  	[tilespmem:$0x630] =	vst v0  }
0xdb: {  	[tilespmem:$0x640] =	vst v0  }
0xdc: {  	[tilespmem:$0x650] =	vst v0  }
0xdd: {  	[tilespmem:$0x660] =	vst v0  }
0xde: {  	[tilespmem:$0x670] =	vst v0  }
0xdf: {  	[tilespmem:$0x680] =	vst v0  }
0xe0: {  	[tilespmem:$0x690] =	vst v0  }
0xe1: {  	[tilespmem:$0x6A0] =	vst v0  }
0xe2: {  	[tilespmem:$0x6B0] =	vst v0  }
0xe3: {  	[tilespmem:$0x6C0] =	vst v0  }
0xe4: {  	[tilespmem:$0x6D0] =	vst v0  }
0xe5: {  	[tilespmem:$0x6E0] =	vst v0  }
0xe6: {  	[tilespmem:$0x6F0] =	vst v0  }
0xe7: {  	[tilespmem:$0x700] =	vst v0  }
0xe8: {  	[tilespmem:$0x710] =	vst v0  }
0xe9: {  	[tilespmem:$0x720] =	vst v0  }
0xea: {  	[tilespmem:$0x730] =	vst v0  }
0xeb: {  	[tilespmem:$0x740] =	vst v0  }
0xec: {  	[tilespmem:$0x750] =	vst v0  }
0xed: {  	[tilespmem:$0x760] =	vst v0  }
0xee: {  	[tilespmem:$0x770] =	vst v0  }
0xef: {  	[tilespmem:$0x780] =	vst v0  }
0xf0: {  	[tilespmem:$0x790] =	vst v0  }
0xf1: {  	[tilespmem:$0x7A0] =	vst v0;
	v1 =	vld [tilespmem:$0x0]  }
0xf2: {  	[tilespmem:$0x7B0] =	vst v0  }
0xf3: {  	[tilespmem:$0x7C0] =	vst v0  }
0xf4: {  	[tilespmem:$0x7D0] =	vst v0  }
0xf5: {  	[tilespmem:$0x7E0] =	vst v0  }
0xf6: {  	[tilespmem:$0x7F0] =	vst v0;
	v1 =	vsel vm0, $0x800, v1  }
0xf7: {  	s25 =	rddreg [dreg:$0x3];
	[tilespmem:$0x0] =	vst v1  }
0xf8: {  	[hbm4b:s25+s10] =	stream.strided.scatter [tilespmem:s1], [sflag:$0x7], $0x800, s11, s10, $0x38;
	[tilespmem:$0x18800] =	vst v63  }
0xf9: {  	_ =	swait.ge [sflag:s9], $0x800  }
0xfa: {  	[sflag:s9] =	ssyncset.done $0x0  }
0xfb: {  	s18 =	rddreg [dreg:$0x1d];
	[sflag:s9] =	ssyncadd.s32 $0xFFFFF800  }
0xfc: {  	[hbm4b:s18+s10] =	stream.strided.scatter [tilespmem:s1], [sflag:$0x7], $0x800, s11, s10, $0x38;
	[tilespmem:$0x18800] =	vst v63  }
0xfd: {  	_ =	swait.ge [sflag:s9], $0x800  }
0xfe: {  	[sflag:s9] =	ssyncset.done $0x0  }
0xff: {  	s19 =	rddreg [dreg:$0x1e];
	[sflag:s9] =	ssyncadd.s32 $0xFFFFF800  }
0x100: {  	[hbm4b:s19+s10] =	stream.strided.scatter [tilespmem:s1], [sflag:$0x7], $0x800, s11, s10, $0x38;
	[tilespmem:$0x18800] =	vst v63  }
0x101: {  	_ =	swait.ge [sflag:s9], $0x800  }
0x102: {  	[sflag:s9] =	ssyncset.done $0x0  }
0x103: {  	s20 =	rddreg [dreg:$0x1f];
	[sflag:s9] =	ssyncadd.s32 $0xFFFFF800  }
0x104: {  	[hbm4b:s20+s10] =	stream.strided.scatter [tilespmem:s1], [sflag:$0x7], $0x800, s11, s10, $0x38;
	[tilespmem:$0x18800] =	vst v63  }
0x105: {  	_ =	swait.ge [sflag:s9], $0x800  }
0x106: {  	s21 =	sld [smem:$0x7FA]  }
0x107: {  	[sflag:s9] =	ssyncset.done $0x0  }
0x108: {  	[sflag:s9] =	ssyncadd.s32 $0xFFFFF800  }
0x109: {  	[hbm4b:s21+s10] =	stream.strided.scatter [tilespmem:s1], [sflag:$0x7], $0x800, s11, s10, $0x38;
	[tilespmem:$0x18800] =	vst v63  }
0x10a: {  	_ =	swait.ge [sflag:s9], $0x800  }
0x10b: {  	s22 =	sld [smem:$0x7FB]  }
0x10c: {  	[sflag:s9] =	ssyncset.done $0x0  }
0x10d: {  	[sflag:s9] =	ssyncadd.s32 $0xFFFFF800  }
0x10e: {  	[hbm4b:s22+s10] =	stream.strided.scatter [tilespmem:s1], [sflag:$0x7], $0x800, s11, s10, $0x38;
	[tilespmem:$0x18800] =	vst v63  }
0x10f: {  	_ =	swait.ge [sflag:s9], $0x800  }
0x110: {  	s23 =	sld [smem:$0x7FC]  }
0x111: {  	[sflag:s9] =	ssyncset.done $0x0  }
0x112: {  	[sflag:s9] =	ssyncadd.s32 $0xFFFFF800  }
0x113: {  	[hbm4b:s23+s10] =	stream.strided.scatter [tilespmem:s1], [sflag:$0x7], $0x800, s11, s10, $0x38;
	[tilespmem:$0x18800] =	vst v63  }
0x114: {  	_ =	swait.ge [sflag:s9], $0x800  }
0x115: {  	s25 =	sld [smem:$0x7FD]  }
0x116: {  	[sflag:s9] =	ssyncset.done $0x0  }
.Ltmp3:
0x117: {  	[sflag:s9] =	ssyncadd.s32 $0xFFFFF800;
	(pc) =	sbr.rel .LBB2_3-.Ltmp3, $4  }
0x118: {  	[hbm4b:s25+s10] =	stream.strided.scatter [tilespmem:s1], [sflag:$0x7], $0x800, s11, s10, $0x38;
	[tilespmem:$0x18800] =	vst v63  }
0x119: {  	_ =	swait.ge [sflag:s9], $0x800  }
0x11a: {  	[sflag:s9] =	ssyncset.done $0x0  }
0x11b: {  	[sflag:s9] =	ssyncadd.s32 $0xFFFFF800  }
.LBB2_4:
0x11c: {  	_ =	sfence.sel $0x180000  }
0x11d: {  	[bflag:$0x0] =	sbarrier.arrive $0xFFFF  }
0x11e: {  	_ =	strace $0x90000047  }
0x11f: {  	s0 =	stileid.u32;
	[bflag:$0x2] =	sbarrier.arrive $0xFFFF  }
0x120: {  	p0 =	sne.s32 s0, $0x0;
	s0 =	rddreg [dreg:$0x5]  }
0x121: {  	s0 =	sadd.s32 @!p0 $0x100000, s0  }
0x122: {  	[sflag:s0] =	ssyncadd.tile.s32 @!p0 $0x1;
	_ =	shalt  }
.Lfunc_end2:
_tile_overlayer_lowered:
.L_overlay_start_2:
0x123: {  	(tag) =	ssettag $0x2  }
0x124: {  	s0 =	rddreg [dreg:$0x0];
	s2 =	stileid.u32  }
0x125: {  	s1 =	rddreg [dreg:$0x1];
	p0 =	sne.s32 s2, $0x0  }
0x126: {  	s3 =	rddreg [dreg:$0x2];
	[bflag:$0x3] =	sbarrier.arrive $0xFFFF;
	s2 =	simm.s32 @!p0 $0x1C07  }
0x127: {  	[timem:s3], [sflag:s2] =	dma.local @!p0 [hbm:s0], s1  }
0x128: {  	s0 =	simm.s32 @!p0 $0x7  }
0x129: {  	_ =	swait.ge @!p0 [sflag:s0], s1  }
0x12a: {  	s1 =	ssub.s32 @!p0 $0x0, s1;
	[sflag:s0] =	ssyncset.done @!p0 $0x0  }
0x12b: {  	[sflag:s0] =	ssyncadd.s32 @!p0 s1  }
0x12c: {  	[bflag:$0x3] =	sbarrier.arrive $0xFFFF  }
0x12d: {  	_ =	shalt  }

</sc_bundles>
